<compile_context>
chip_gen: v7x
topology: tpu7x:2x2x1
jax: 0.10.2.dev20260603
libtpu: 0.0.44.dev20260713+nightly
codegen_flags: <defaults>
</compile_context>

<pallas_src>
import jax
import jax.numpy as jnp
from jax import lax
from jax.experimental import pallas as pl
from jax.experimental.pallas import tpu as pltpu
from jax.experimental.pallas import tpu_sc as plsc

BATCH = 4096
SEQ = 200
EMBED = 64
LANES = 16

NUM_CORES = 2
NUM_SUBCORES = 16
NW = NUM_CORES * NUM_SUBCORES
BATCH_PER_W = BATCH // NW
CB = 2
CROWS = CB * SEQ
NCHUNK = BATCH_PER_W // CB
ROWS_PER_W = BATCH_PER_W * SEQ
NB = 3


def _sc_body(x_hbm, tab_hbm, pos_hbm, out_hbm, idx_v, pos_v, buf_v,
             sem_g, sem_o):
    wid = lax.axis_index("s") * NUM_CORES + lax.axis_index("c")
    row0 = wid * ROWS_PER_W

    pltpu.sync_copy(x_hbm.at[pl.ds(row0, ROWS_PER_W)], idx_v)
    pltpu.sync_copy(pos_hbm, pos_v)

    def g_start(j, slot):
        pltpu.async_copy(tab_hbm.at[idx_v.at[pl.ds(CROWS * j, CROWS)]],
                         buf_v.at[slot], sem_g.at[slot])

    def g_wait(slot):
        pltpu.make_async_copy(tab_hbm.at[idx_v.at[pl.ds(0, CROWS)]],
                              buf_v.at[slot], sem_g.at[slot]).wait()

    def o_start(j, slot):
        pltpu.async_copy(buf_v.at[slot],
                         out_hbm.at[pl.ds(row0 + CROWS * j, CROWS)],
                         sem_o.at[slot])

    def o_wait(j, slot):
        pltpu.make_async_copy(buf_v.at[slot],
                              out_hbm.at[pl.ds(row0 + CROWS * j, CROWS)],
                              sem_o.at[slot]).wait()

    def add_pos(slot):
        @plsc.parallel_loop(0, SEQ, unroll=4)
        def r_body(r):
            for jj in range(EMBED // LANES):
                sl = pl.ds(jj * LANES, LANES)
                p = pos_v[r, sl]
                for b in range(CB):
                    buf_v[slot, b * SEQ + r, sl] = (
                        buf_v[slot, b * SEQ + r, sl] + p)

    g_start(0, 0)
    g_start(1, 1)
    g_wait(0)
    add_pos(0)
    o_start(0, 0)
    g_start(2, 2)

    def body(j, carry):
        slot0 = lax.rem(j, NB)
        slot2 = lax.rem(j + 2, NB)
        g_wait(slot0)
        add_pos(slot0)
        o_start(j, slot0)
        o_wait(j - 1, slot2)
        g_start(j + 2, slot2)
        return carry

    lax.fori_loop(1, NCHUNK - 2, body, 0)

    j = NCHUNK - 2
    g_wait(j % NB)
    add_pos(j % NB)
    o_start(j, j % NB)
    o_wait(j - 1, (j + 2) % NB)
    j = NCHUNK - 1
    g_wait(j % NB)
    add_pos(j % NB)
    o_start(j, j % NB)
    o_wait(NCHUNK - 2, (NCHUNK - 2) % NB)
    o_wait(NCHUNK - 1, (NCHUNK - 1) % NB)


@jax.jit
def kernel(x, token_table, pos_table):
    x_flat = x.reshape(BATCH * SEQ)
    mesh = plsc.VectorSubcoreMesh(core_axis_name="c", subcore_axis_name="s")
    f = pl.kernel(
        _sc_body,
        out_type=jax.ShapeDtypeStruct((BATCH * SEQ, EMBED), jnp.float32),
        mesh=mesh,
        compiler_params=pltpu.CompilerParams(use_tc_tiling_on_sc=False),
        scratch_types=[
            pltpu.VMEM((ROWS_PER_W,), jnp.int32),
            pltpu.VMEM((SEQ, EMBED), jnp.float32),
            pltpu.VMEM((NB, CROWS, EMBED), jnp.float32),
            pltpu.SemaphoreType.DMA((NB,)),
            pltpu.SemaphoreType.DMA((NB,)),
        ],
    )
    out = f(x_flat, token_table, pos_table)
    return out.reshape(BATCH, SEQ, EMBED)

# --- scband reference (transcript-rebuilt; emitter-appended) ---
"""Pipeline reference for scband-positional-embedding-56255481643599 (READ-ONLY COPY).

The authoritative reference and input builder live on the scoring server;
editing this copy changes nothing except your own understanding.
"""

import jax, jax.numpy as jnp
import numpy as np

BATCH = 4096
SEQ = 200
VOCAB = 100000
EMBED = 64

def setup_inputs(seed: int = 0) -> dict:
    key = jax.random.key(seed)
    k1, k2, k3 = jax.random.split(key, 3)
    x = jax.random.randint(k1, (BATCH, SEQ), 0, VOCAB, dtype=jnp.int64 if jax.config.jax_enable_x64 else jnp.int32)
    token_table = jax.random.normal(k2, (VOCAB, EMBED), dtype=jnp.float32) * 0.02
    pos_table = jax.random.normal(k3, (SEQ, EMBED), dtype=jnp.float32) * 0.02
    return {"x": x, "token_table": token_table, "pos_table": pos_table}

def reference(x, token_table, pos_table):
    length = x.shape[-1]
    positions = jnp.arange(length)
    embedded_tokens = jnp.take(token_table, x, axis=0)
    embedded_positions = jnp.take(pos_table, positions, axis=0)
    return embedded_tokens + embedded_positions

if __name__ == "__main__":
    import jax
    _d = setup_inputs()
    print(jax.jit(kernel)(*tuple(_d.values())))

</pallas_src>

<mosaic_0001>
#map = affine_map<(d0, d1) -> (0)>
#map1 = affine_map<(d0, d1) -> (0, 0)>
module attributes {stable_mosaic.version = 14 : i64} {
  func.func @_sc_body(%arg0: i32, %arg1: i32, %arg2: memref<819200xi32, #tpu.memory_space<hbm>>, %arg3: memref<100000x64xf32, #tpu.memory_space<hbm>>, %arg4: memref<200x64xf32, #tpu.memory_space<hbm>>, %arg5: memref<819200x64xf32, #tpu.memory_space<hbm>>, %arg6: memref<25600xi32, #tpu.memory_space<vmem>>, %arg7: memref<200x64xf32, #tpu.memory_space<vmem>>, %arg8: memref<3x400x64xf32, #tpu.memory_space<vmem>>, %arg9: memref<3x!tpu.dma_semaphore, #tpu.memory_space<semaphore_mem>>, %arg10: memref<3x!tpu.dma_semaphore, #tpu.memory_space<semaphore_mem>>) attributes {dimension_semantics = [#tpu.dimension_semantics<core_parallel>, #tpu.dimension_semantics<subcore_parallel>], iteration_bounds = array<i64: 2, 16>, scalar_prefetch = 0 : i64, scratch_operands = 5 : i64, tpu.core_type = #tpu.core_type<sc_vector_subcore>, window_params = [{transform_indices = #map}, {transform_indices = #map1}, {transform_indices = #map1}, {transform_indices = #map1}]} {
    %mul3A = arith.constant 2 : i32
    %mul3A_0 = arith.muli %arg1, %mul3A : i32
    %add3A = arith.addi %mul3A_0, %arg0 : i32
    %mul3A_1 = arith.constant 25600 : i32
    %mul3A_2 = arith.muli %add3A, %mul3A_1 : i32
    "tpu.region"() ({
      %run_scoped3A = tpu.sem_alloc : memref<!tpu.dma_semaphore, #tpu.memory_space<semaphore_mem>>
      %dma_start3A_200 = tpu.memref_slice %arg2[%mul3A_2] : memref<819200xi32, #tpu.memory_space<hbm>> -> memref<25600xi32, #tpu.memory_space<hbm>>
      %dma_start3A_201 = tpu.memref_slice %arg2[%mul3A_2] : memref<819200xi32, #tpu.memory_space<hbm>> -> memref<25600xi32, #tpu.memory_space<hbm>>
      tpu.enqueue_dma source(%dma_start3A_201 : memref<25600xi32, #tpu.memory_space<hbm>>) target(%arg6 : memref<25600xi32, #tpu.memory_space<vmem>>) target_semaphore(%run_scoped3A : memref<!tpu.dma_semaphore, #tpu.memory_space<semaphore_mem>>)
      %dma_wait3A_202 = tpu.memref_slice %arg2[%mul3A_2] : memref<819200xi32, #tpu.memory_space<hbm>> -> memref<25600xi32, #tpu.memory_space<hbm>>
      %dma_wait3A_203 = tpu.memref_slice %arg2[%mul3A_2] : memref<819200xi32, #tpu.memory_space<hbm>> -> memref<25600xi32, #tpu.memory_space<hbm>>
      tpu.wait_dma2 semaphore(%run_scoped3A : memref<!tpu.dma_semaphore, #tpu.memory_space<semaphore_mem>>) src(%dma_wait3A_203 : memref<25600xi32, #tpu.memory_space<hbm>>) dst(%arg6 : memref<25600xi32, #tpu.memory_space<vmem>>)
      tpu.yield
    }) : () -> ()
    "tpu.region"() ({
      %run_scoped3A = tpu.sem_alloc : memref<!tpu.dma_semaphore, #tpu.memory_space<semaphore_mem>>
      tpu.enqueue_dma source(%arg4 : memref<200x64xf32, #tpu.memory_space<hbm>>) target(%arg7 : memref<200x64xf32, #tpu.memory_space<vmem>>) target_semaphore(%run_scoped3A : memref<!tpu.dma_semaphore, #tpu.memory_space<semaphore_mem>>)
      tpu.wait_dma2 semaphore(%run_scoped3A : memref<!tpu.dma_semaphore, #tpu.memory_space<semaphore_mem>>) src(%arg4 : memref<200x64xf32, #tpu.memory_space<hbm>>) dst(%arg7 : memref<200x64xf32, #tpu.memory_space<vmem>>)
      tpu.yield
    }) : () -> ()
    %dma_start3A = arith.constant 0 : i32
    %dma_start3A_3 = arith.constant 0 : i32
    %dma_start3A_4 = arith.constant 0 : i32
    %dma_start3A_5 = arith.constant 0 : i32
    %dma_start3A_6 = tpu.memref_slice %arg8[%dma_start3A, %dma_start3A_4, %dma_start3A_5] : memref<3x400x64xf32, #tpu.memory_space<vmem>> -> memref<1x400x64xf32, #tpu.memory_space<vmem>>
    %dma_start3A_7 = tpu.memref_squeeze %dma_start3A_6 : memref<1x400x64xf32, #tpu.memory_space<vmem>> -> memref<400x64xf32, #tpu.memory_space<vmem>>
    %dma_start3A_8 = arith.constant 0 : i32
    %dma_start3A_9 = tpu.memref_slice %arg6[%dma_start3A_8] : memref<25600xi32, #tpu.memory_space<vmem>> -> memref<400xi32, #tpu.memory_space<vmem>>
    %dma_start3A_10 = arith.constant 0 : i32
    %dma_start3A_11 = arith.constant 0 : i32
    %dma_start3A_12 = tpu.memref_slice %arg3[%dma_start3A_10, %dma_start3A_11] : memref<100000x64xf32, #tpu.memory_space<hbm>> -> memref<100000x64xf32, #tpu.memory_space<hbm>>
    %dma_start3A_13 = tpu.memref_slice %arg9[%dma_start3A_3] : memref<3x!tpu.dma_semaphore, #tpu.memory_space<semaphore_mem>> -> memref<1x!tpu.dma_semaphore, #tpu.memory_space<semaphore_mem>>
    %dma_start3A_14 = tpu.memref_squeeze %dma_start3A_13 : memref<1x!tpu.dma_semaphore, #tpu.memory_space<semaphore_mem>> -> memref<!tpu.dma_semaphore, #tpu.memory_space<semaphore_mem>>
    tpu.enqueue_indirect_dma source(%dma_start3A_12 : memref<100000x64xf32, #tpu.memory_space<hbm>>) target(%dma_start3A_7 : memref<400x64xf32, #tpu.memory_space<vmem>>) offsets(%dma_start3A_9 : memref<400xi32, #tpu.memory_space<vmem>>) semaphore(%dma_start3A_14 : memref<!tpu.dma_semaphore, #tpu.memory_space<semaphore_mem>>)
    %dma_start3A_15 = arith.constant 1 : i32
    %dma_start3A_16 = arith.constant 1 : i32
    %dma_start3A_17 = arith.constant 0 : i32
    %dma_start3A_18 = arith.constant 0 : i32
    %dma_start3A_19 = tpu.memref_slice %arg8[%dma_start3A_15, %dma_start3A_17, %dma_start3A_18] : memref<3x400x64xf32, #tpu.memory_space<vmem>> -> memref<1x400x64xf32, #tpu.memory_space<vmem>>
    %dma_start3A_20 = tpu.memref_squeeze %dma_start3A_19 : memref<1x400x64xf32, #tpu.memory_space<vmem>> -> memref<400x64xf32, #tpu.memory_space<vmem>>
    %dma_start3A_21 = arith.constant 400 : i32
    %dma_start3A_22 = tpu.memref_slice %arg6[%dma_start3A_21] : memref<25600xi32, #tpu.memory_space<vmem>> -> memref<400xi32, #tpu.memory_space<vmem>>
    %dma_start3A_23 = arith.constant 0 : i32
    %dma_start3A_24 = arith.constant 0 : i32
    %dma_start3A_25 = tpu.memref_slice %arg3[%dma_start3A_23, %dma_start3A_24] : memref<100000x64xf32, #tpu.memory_space<hbm>> -> memref<100000x64xf32, #tpu.memory_space<hbm>>
    %dma_start3A_26 = tpu.memref_slice %arg9[%dma_start3A_16] : memref<3x!tpu.dma_semaphore, #tpu.memory_space<semaphore_mem>> -> memref<1x!tpu.dma_semaphore, #tpu.memory_space<semaphore_mem>>
    %dma_start3A_27 = tpu.memref_squeeze %dma_start3A_26 : memref<1x!tpu.dma_semaphore, #tpu.memory_space<semaphore_mem>> -> memref<!tpu.dma_semaphore, #tpu.memory_space<semaphore_mem>>
    tpu.enqueue_indirect_dma source(%dma_start3A_25 : memref<100000x64xf32, #tpu.memory_space<hbm>>) target(%dma_start3A_20 : memref<400x64xf32, #tpu.memory_space<vmem>>) offsets(%dma_start3A_22 : memref<400xi32, #tpu.memory_space<vmem>>) semaphore(%dma_start3A_27 : memref<!tpu.dma_semaphore, #tpu.memory_space<semaphore_mem>>)
    %dma_wait3A = arith.constant 0 : i32
    %dma_wait3A_28 = arith.constant 0 : i32
    %dma_wait3A_29 = arith.constant 0 : i32
    %dma_wait3A_30 = arith.constant 0 : i32
    %dma_wait3A_31 = tpu.memref_slice %arg8[%dma_wait3A, %dma_wait3A_29, %dma_wait3A_30] : memref<3x400x64xf32, #tpu.memory_space<vmem>> -> memref<1x400x64xf32, #tpu.memory_space<vmem>>
    %dma_wait3A_32 = tpu.memref_squeeze %dma_wait3A_31 : memref<1x400x64xf32, #tpu.memory_space<vmem>> -> memref<400x64xf32, #tpu.memory_space<vmem>>
    %dma_wait3A_33 = arith.constant 0 : i32
    %dma_wait3A_34 = tpu.memref_slice %arg6[%dma_wait3A_33] : memref<25600xi32, #tpu.memory_space<vmem>> -> memref<400xi32, #tpu.memory_space<vmem>>
    %dma_wait3A_35 = arith.constant 0 : i32
    %dma_wait3A_36 = arith.constant 0 : i32
    %dma_wait3A_37 = tpu.memref_slice %arg3[%dma_wait3A_35, %dma_wait3A_36] : memref<100000x64xf32, #tpu.memory_space<hbm>> -> memref<100000x64xf32, #tpu.memory_space<hbm>>
    %dma_wait3A_38 = tpu.memref_slice %arg9[%dma_wait3A_28] : memref<3x!tpu.dma_semaphore, #tpu.memory_space<semaphore_mem>> -> memref<1x!tpu.dma_semaphore, #tpu.memory_space<semaphore_mem>>
    %dma_wait3A_39 = tpu.memref_squeeze %dma_wait3A_38 : memref<1x!tpu.dma_semaphore, #tpu.memory_space<semaphore_mem>> -> memref<!tpu.dma_semaphore, #tpu.memory_space<semaphore_mem>>
    tpu.wait_indirect_dma semaphore(%dma_wait3A_39 : memref<!tpu.dma_semaphore, #tpu.memory_space<semaphore_mem>>) src(%dma_wait3A_37 : memref<100000x64xf32, #tpu.memory_space<hbm>>) dst(%dma_wait3A_32 : memref<400x64xf32, #tpu.memory_space<vmem>>)
    %parallel_loop3A = arith.constant 0 : i32
    %parallel_loop3A_40 = arith.constant 200 : i32
    %parallel_loop3A_41 = arith.constant 1 : i32
    scf.for %parallel_loop3A_200 = %parallel_loop3A to %parallel_loop3A_40 step %parallel_loop3A_41  : i32 {
      %parallel_loop3A_201 = arith.index_cast %parallel_loop3A_200 : i32 to index
      %parallel_loop3A_202 = arith.constant 0 : index
      %parallel_loop3A_203 = tpu.vector_load %arg7[%parallel_loop3A_201, %parallel_loop3A_202] {strides = array<i32>} : memref<200x64xf32, #tpu.memory_space<vmem>>, vector<1x16xf32>,
      %parallel_loop3A_204 = vector.shape_cast %parallel_loop3A_203 : vector<1x16xf32> to vector<16xf32>
      %parallel_loop3A_205 = arith.constant 0 : i32
      %parallel_loop3A_206 = arith.addi %parallel_loop3A_205, %parallel_loop3A_200 : i32
      %parallel_loop3A_207 = arith.constant 0 : i32
      %parallel_loop3A_208 = arith.index_cast %parallel_loop3A_207 : i32 to index
      %parallel_loop3A_209 = arith.index_cast %parallel_loop3A_206 : i32 to index
      %parallel_loop3A_210 = arith.constant 0 : index
      %parallel_loop3A_211 = tpu.vector_load %arg8[%parallel_loop3A_208, %parallel_loop3A_209, %parallel_loop3A_210] {strides = array<i32>} : memref<3x400x64xf32, #tpu.memory_space<vmem>>, vector<1x1x16xf32>,
      %parallel_loop3A_212 = vector.shape_cast %parallel_loop3A_211 : vector<1x1x16xf32> to vector<16xf32>
      %parallel_loop3A_213 = arith.addf %parallel_loop3A_212, %parallel_loop3A_204 : vector<16xf32>
      %parallel_loop3A_214 = arith.constant 0 : i32
      %parallel_loop3A_215 = arith.addi %parallel_loop3A_214, %parallel_loop3A_200 : i32
      %parallel_loop3A_216 = arith.constant 0 : i32
      %parallel_loop3A_217 = arith.index_cast %parallel_loop3A_216 : i32 to index
      %parallel_loop3A_218 = arith.index_cast %parallel_loop3A_215 : i32 to index
      %parallel_loop3A_219 = arith.constant 0 : index
      %parallel_loop3A_220 = tpu.vector_load %arg8[%parallel_loop3A_217, %parallel_loop3A_218, %parallel_loop3A_219] {strides = array<i32>} : memref<3x400x64xf32, #tpu.memory_space<vmem>>, vector<1x1x16xf32>,
      %parallel_loop3A_221 = vector.shape_cast %parallel_loop3A_220 : vector<1x1x16xf32> to vector<16xf32>
      %parallel_loop3A_222 = vector.shape_cast %parallel_loop3A_213 : vector<16xf32> to vector<1x1x16xf32>
      tpu.vector_store %arg8[%parallel_loop3A_217, %parallel_loop3A_218, %parallel_loop3A_219], %parallel_loop3A_222 {strides = array<i32>} : memref<3x400x64xf32, #tpu.memory_space<vmem>>, vector<1x1x16xf32>,
      %parallel_loop3A_223 = arith.constant 200 : i32
      %parallel_loop3A_224 = arith.addi %parallel_loop3A_223, %parallel_loop3A_200 : i32
      %parallel_loop3A_225 = arith.constant 0 : i32
      %parallel_loop3A_226 = arith.index_cast %parallel_loop3A_225 : i32 to index
      %parallel_loop3A_227 = arith.index_cast %parallel_loop3A_224 : i32 to index
      %parallel_loop3A_228 = arith.constant 0 : index
      %parallel_loop3A_229 = tpu.vector_load %arg8[%parallel_loop3A_226, %parallel_loop3A_227, %parallel_loop3A_228] {strides = array<i32>} : memref<3x400x64xf32, #tpu.memory_space<vmem>>, vector<1x1x16xf32>,
      %parallel_loop3A_230 = vector.shape_cast %parallel_loop3A_229 : vector<1x1x16xf32> to vector<16xf32>
      %parallel_loop3A_231 = arith.addf %parallel_loop3A_230, %parallel_loop3A_204 : vector<16xf32>
      %parallel_loop3A_232 = arith.constant 200 : i32
      %parallel_loop3A_233 = arith.addi %parallel_loop3A_232, %parallel_loop3A_200 : i32
      %parallel_loop3A_234 = arith.constant 0 : i32
      %parallel_loop3A_235 = arith.index_cast %parallel_loop3A_234 : i32 to index
      %parallel_loop3A_236 = arith.index_cast %parallel_loop3A_233 : i32 to index
      %parallel_loop3A_237 = arith.constant 0 : index
      %parallel_loop3A_238 = tpu.vector_load %arg8[%parallel_loop3A_235, %parallel_loop3A_236, %parallel_loop3A_237] {strides = array<i32>} : memref<3x400x64xf32, #tpu.memory_space<vmem>>, vector<1x1x16xf32>,
      %parallel_loop3A_239 = vector.shape_cast %parallel_loop3A_238 : vector<1x1x16xf32> to vector<16xf32>
      %parallel_loop3A_240 = vector.shape_cast %parallel_loop3A_231 : vector<16xf32> to vector<1x1x16xf32>
      tpu.vector_store %arg8[%parallel_loop3A_235, %parallel_loop3A_236, %parallel_loop3A_237], %parallel_loop3A_240 {strides = array<i32>} : memref<3x400x64xf32, #tpu.memory_space<vmem>>, vector<1x1x16xf32>,
      %parallel_loop3A_241 = arith.index_cast %parallel_loop3A_200 : i32 to index
      %parallel_loop3A_242 = arith.constant 16 : index
      %parallel_loop3A_243 = tpu.vector_load %arg7[%parallel_loop3A_241, %parallel_loop3A_242] {strides = array<i32>} : memref<200x64xf32, #tpu.memory_space<vmem>>, vector<1x16xf32>,
      %parallel_loop3A_244 = vector.shape_cast %parallel_loop3A_243 : vector<1x16xf32> to vector<16xf32>
      %parallel_loop3A_245 = arith.constant 0 : i32
      %parallel_loop3A_246 = arith.addi %parallel_loop3A_245, %parallel_loop3A_200 : i32
      %parallel_loop3A_247 = arith.constant 0 : i32
      %parallel_loop3A_248 = arith.index_cast %parallel_loop3A_247 : i32 to index
      %parallel_loop3A_249 = arith.index_cast %parallel_loop3A_246 : i32 to index
      %parallel_loop3A_250 = arith.constant 16 : index
      %parallel_loop3A_251 = tpu.vector_load %arg8[%parallel_loop3A_248, %parallel_loop3A_249, %parallel_loop3A_250] {strides = array<i32>} : memref<3x400x64xf32, #tpu.memory_space<vmem>>, vector<1x1x16xf32>,
      %parallel_loop3A_252 = vector.shape_cast %parallel_loop3A_251 : vector<1x1x16xf32> to vector<16xf32>
      %parallel_loop3A_253 = arith.addf %parallel_loop3A_252, %parallel_loop3A_244 : vector<16xf32>
      %parallel_loop3A_254 = arith.constant 0 : i32
      %parallel_loop3A_255 = arith.addi %parallel_loop3A_254, %parallel_loop3A_200 : i32
      %parallel_loop3A_256 = arith.constant 0 : i32
      %parallel_loop3A_257 = arith.index_cast %parallel_loop3A_256 : i32 to index
      %parallel_loop3A_258 = arith.index_cast %parallel_loop3A_255 : i32 to index
      %parallel_loop3A_259 = arith.constant 16 : index
      %parallel_loop3A_260 = tpu.vector_load %arg8[%parallel_loop3A_257, %parallel_loop3A_258, %parallel_loop3A_259] {strides = array<i32>} : memref<3x400x64xf32, #tpu.memory_space<vmem>>, vector<1x1x16xf32>,
      %parallel_loop3A_261 = vector.shape_cast %parallel_loop3A_260 : vector<1x1x16xf32> to vector<16xf32>
      %parallel_loop3A_262 = vector.shape_cast %parallel_loop3A_253 : vector<16xf32> to vector<1x1x16xf32>
      tpu.vector_store %arg8[%parallel_loop3A_257, %parallel_loop3A_258, %parallel_loop3A_259], %parallel_loop3A_262 {strides = array<i32>} : memref<3x400x64xf32, #tpu.memory_space<vmem>>, vector<1x1x16xf32>,
      %parallel_loop3A_263 = arith.constant 200 : i32
      %parallel_loop3A_264 = arith.addi %parallel_loop3A_263, %parallel_loop3A_200 : i32
      %parallel_loop3A_265 = arith.constant 0 : i32
      %parallel_loop3A_266 = arith.index_cast %parallel_loop3A_265 : i32 to index
      %parallel_loop3A_267 = arith.index_cast %parallel_loop3A_264 : i32 to index
      %parallel_loop3A_268 = arith.constant 16 : index
      %parallel_loop3A_269 = tpu.vector_load %arg8[%parallel_loop3A_266, %parallel_loop3A_267, %parallel_loop3A_268] {strides = array<i32>} : memref<3x400x64xf32, #tpu.memory_space<vmem>>, vector<1x1x16xf32>,
      %parallel_loop3A_270 = vector.shape_cast %parallel_loop3A_269 : vector<1x1x16xf32> to vector<16xf32>
      %parallel_loop3A_271 = arith.addf %parallel_loop3A_270, %parallel_loop3A_244 : vector<16xf32>
      %parallel_loop3A_272 = arith.constant 200 : i32
      %parallel_loop3A_273 = arith.addi %parallel_loop3A_272, %parallel_loop3A_200 : i32
      %parallel_loop3A_274 = arith.constant 0 : i32
      %parallel_loop3A_275 = arith.index_cast %parallel_loop3A_274 : i32 to index
      %parallel_loop3A_276 = arith.index_cast %parallel_loop3A_273 : i32 to index
      %parallel_loop3A_277 = arith.constant 16 : index
      %parallel_loop3A_278 = tpu.vector_load %arg8[%parallel_loop3A_275, %parallel_loop3A_276, %parallel_loop3A_277] {strides = array<i32>} : memref<3x400x64xf32, #tpu.memory_space<vmem>>, vector<1x1x16xf32>,
      %parallel_loop3A_279 = vector.shape_cast %parallel_loop3A_278 : vector<1x1x16xf32> to vector<16xf32>
      %parallel_loop3A_280 = vector.shape_cast %parallel_loop3A_271 : vector<16xf32> to vector<1x1x16xf32>
      tpu.vector_store %arg8[%parallel_loop3A_275, %parallel_loop3A_276, %parallel_loop3A_277], %parallel_loop3A_280 {strides = array<i32>} : memref<3x400x64xf32, #tpu.memory_space<vmem>>, vector<1x1x16xf32>,
      %parallel_loop3A_281 = arith.index_cast %parallel_loop3A_200 : i32 to index
      %parallel_loop3A_282 = arith.constant 32 : index
      %parallel_loop3A_283 = tpu.vector_load %arg7[%parallel_loop3A_281, %parallel_loop3A_282] {strides = array<i32>} : memref<200x64xf32, #tpu.memory_space<vmem>>, vector<1x16xf32>,
      %parallel_loop3A_284 = vector.shape_cast %parallel_loop3A_283 : vector<1x16xf32> to vector<16xf32>
      %parallel_loop3A_285 = arith.constant 0 : i32
      %parallel_loop3A_286 = arith.addi %parallel_loop3A_285, %parallel_loop3A_200 : i32
      %parallel_loop3A_287 = arith.constant 0 : i32
      %parallel_loop3A_288 = arith.index_cast %parallel_loop3A_287 : i32 to index
      %parallel_loop3A_289 = arith.index_cast %parallel_loop3A_286 : i32 to index
      %parallel_loop3A_290 = arith.constant 32 : index
      %parallel_loop3A_291 = tpu.vector_load %arg8[%parallel_loop3A_288, %parallel_loop3A_289, %parallel_loop3A_290] {strides = array<i32>} : memref<3x400x64xf32, #tpu.memory_space<vmem>>, vector<1x1x16xf32>,
      %parallel_loop3A_292 = vector.shape_cast %parallel_loop3A_291 : vector<1x1x16xf32> to vector<16xf32>
      %parallel_loop3A_293 = arith.addf %parallel_loop3A_292, %parallel_loop3A_284 : vector<16xf32>
      %parallel_loop3A_294 = arith.constant 0 : i32
      %parallel_loop3A_295 = arith.addi %parallel_loop3A_294, %parallel_loop3A_200 : i32
      %parallel_loop3A_296 = arith.constant 0 : i32
      %parallel_loop3A_297 = arith.index_cast %parallel_loop3A_296 : i32 to index
      %parallel_loop3A_298 = arith.index_cast %parallel_loop3A_295 : i32 to index
      %parallel_loop3A_299 = arith.constant 32 : index
      %parallel_loop3A_300 = tpu.vector_load %arg8[%parallel_loop3A_297, %parallel_loop3A_298, %parallel_loop3A_299] {strides = array<i32>} : memref<3x400x64xf32, #tpu.memory_space<vmem>>, vector<1x1x16xf32>,
      %parallel_loop3A_301 = vector.shape_cast %parallel_loop3A_300 : vector<1x1x16xf32> to vector<16xf32>
      %parallel_loop3A_302 = vector.shape_cast %parallel_loop3A_293 : vector<16xf32> to vector<1x1x16xf32>
      tpu.vector_store %arg8[%parallel_loop3A_297, %parallel_loop3A_298, %parallel_loop3A_299], %parallel_loop3A_302 {strides = array<i32>} : memref<3x400x64xf32, #tpu.memory_space<vmem>>, vector<1x1x16xf32>,
      %parallel_loop3A_303 = arith.constant 200 : i32
      %parallel_loop3A_304 = arith.addi %parallel_loop3A_303, %parallel_loop3A_200 : i32
      %parallel_loop3A_305 = arith.constant 0 : i32
      %parallel_loop3A_306 = arith.index_cast %parallel_loop3A_305 : i32 to index
      %parallel_loop3A_307 = arith.index_cast %parallel_loop3A_304 : i32 to index
      %parallel_loop3A_308 = arith.constant 32 : index
      %parallel_loop3A_309 = tpu.vector_load %arg8[%parallel_loop3A_306, %parallel_loop3A_307, %parallel_loop3A_308] {strides = array<i32>} : memref<3x400x64xf32, #tpu.memory_space<vmem>>, vector<1x1x16xf32>,
      %parallel_loop3A_310 = vector.shape_cast %parallel_loop3A_309 : vector<1x1x16xf32> to vector<16xf32>
      %parallel_loop3A_311 = arith.addf %parallel_loop3A_310, %parallel_loop3A_284 : vector<16xf32>
      %parallel_loop3A_312 = arith.constant 200 : i32
      %parallel_loop3A_313 = arith.addi %parallel_loop3A_312, %parallel_loop3A_200 : i32
      %parallel_loop3A_314 = arith.constant 0 : i32
      %parallel_loop3A_315 = arith.index_cast %parallel_loop3A_314 : i32 to index
      %parallel_loop3A_316 = arith.index_cast %parallel_loop3A_313 : i32 to index
      %parallel_loop3A_317 = arith.constant 32 : index
      %parallel_loop3A_318 = tpu.vector_load %arg8[%parallel_loop3A_315, %parallel_loop3A_316, %parallel_loop3A_317] {strides = array<i32>} : memref<3x400x64xf32, #tpu.memory_space<vmem>>, vector<1x1x16xf32>,
      %parallel_loop3A_319 = vector.shape_cast %parallel_loop3A_318 : vector<1x1x16xf32> to vector<16xf32>
      %parallel_loop3A_320 = vector.shape_cast %parallel_loop3A_311 : vector<16xf32> to vector<1x1x16xf32>
      tpu.vector_store %arg8[%parallel_loop3A_315, %parallel_loop3A_316, %parallel_loop3A_317], %parallel_loop3A_320 {strides = array<i32>} : memref<3x400x64xf32, #tpu.memory_space<vmem>>, vector<1x1x16xf32>,
      %parallel_loop3A_321 = arith.index_cast %parallel_loop3A_200 : i32 to index
      %parallel_loop3A_322 = arith.constant 48 : index
      %parallel_loop3A_323 = tpu.vector_load %arg7[%parallel_loop3A_321, %parallel_loop3A_322] {strides = array<i32>} : memref<200x64xf32, #tpu.memory_space<vmem>>, vector<1x16xf32>,
      %parallel_loop3A_324 = vector.shape_cast %parallel_loop3A_323 : vector<1x16xf32> to vector<16xf32>
      %parallel_loop3A_325 = arith.constant 0 : i32
      %parallel_loop3A_326 = arith.addi %parallel_loop3A_325, %parallel_loop3A_200 : i32
      %parallel_loop3A_327 = arith.constant 0 : i32
      %parallel_loop3A_328 = arith.index_cast %parallel_loop3A_327 : i32 to index
      %parallel_loop3A_329 = arith.index_cast %parallel_loop3A_326 : i32 to index
      %parallel_loop3A_330 = arith.constant 48 : index
      %parallel_loop3A_331 = tpu.vector_load %arg8[%parallel_loop3A_328, %parallel_loop3A_329, %parallel_loop3A_330] {strides = array<i32>} : memref<3x400x64xf32, #tpu.memory_space<vmem>>, vector<1x1x16xf32>,
      %parallel_loop3A_332 = vector.shape_cast %parallel_loop3A_331 : vector<1x1x16xf32> to vector<16xf32>
      %parallel_loop3A_333 = arith.addf %parallel_loop3A_332, %parallel_loop3A_324 : vector<16xf32>
      %parallel_loop3A_334 = arith.constant 0 : i32
      %parallel_loop3A_335 = arith.addi %parallel_loop3A_334, %parallel_loop3A_200 : i32
      %parallel_loop3A_336 = arith.constant 0 : i32
      %parallel_loop3A_337 = arith.index_cast %parallel_loop3A_336 : i32 to index
      %parallel_loop3A_338 = arith.index_cast %parallel_loop3A_335 : i32 to index
      %parallel_loop3A_339 = arith.constant 48 : index
      %parallel_loop3A_340 = tpu.vector_load %arg8[%parallel_loop3A_337, %parallel_loop3A_338, %parallel_loop3A_339] {strides = array<i32>} : memref<3x400x64xf32, #tpu.memory_space<vmem>>, vector<1x1x16xf32>,
      %parallel_loop3A_341 = vector.shape_cast %parallel_loop3A_340 : vector<1x1x16xf32> to vector<16xf32>
      %parallel_loop3A_342 = vector.shape_cast %parallel_loop3A_333 : vector<16xf32> to vector<1x1x16xf32>
      tpu.vector_store %arg8[%parallel_loop3A_337, %parallel_loop3A_338, %parallel_loop3A_339], %parallel_loop3A_342 {strides = array<i32>} : memref<3x400x64xf32, #tpu.memory_space<vmem>>, vector<1x1x16xf32>,
      %parallel_loop3A_343 = arith.constant 200 : i32
      %parallel_loop3A_344 = arith.addi %parallel_loop3A_343, %parallel_loop3A_200 : i32
      %parallel_loop3A_345 = arith.constant 0 : i32
      %parallel_loop3A_346 = arith.index_cast %parallel_loop3A_345 : i32 to index
      %parallel_loop3A_347 = arith.index_cast %parallel_loop3A_344 : i32 to index
      %parallel_loop3A_348 = arith.constant 48 : index
      %parallel_loop3A_349 = tpu.vector_load %arg8[%parallel_loop3A_346, %parallel_loop3A_347, %parallel_loop3A_348] {strides = array<i32>} : memref<3x400x64xf32, #tpu.memory_space<vmem>>, vector<1x1x16xf32>,
      %parallel_loop3A_350 = vector.shape_cast %parallel_loop3A_349 : vector<1x1x16xf32> to vector<16xf32>
      %parallel_loop3A_351 = arith.addf %parallel_loop3A_350, %parallel_loop3A_324 : vector<16xf32>
      %parallel_loop3A_352 = arith.constant 200 : i32
      %parallel_loop3A_353 = arith.addi %parallel_loop3A_352, %parallel_loop3A_200 : i32
      %parallel_loop3A_354 = arith.constant 0 : i32
      %parallel_loop3A_355 = arith.index_cast %parallel_loop3A_354 : i32 to index
      %parallel_loop3A_356 = arith.index_cast %parallel_loop3A_353 : i32 to index
      %parallel_loop3A_357 = arith.constant 48 : index
      %parallel_loop3A_358 = tpu.vector_load %arg8[%parallel_loop3A_355, %parallel_loop3A_356, %parallel_loop3A_357] {strides = array<i32>} : memref<3x400x64xf32, #tpu.memory_space<vmem>>, vector<1x1x16xf32>,
      %parallel_loop3A_359 = vector.shape_cast %parallel_loop3A_358 : vector<1x1x16xf32> to vector<16xf32>
      %parallel_loop3A_360 = vector.shape_cast %parallel_loop3A_351 : vector<16xf32> to vector<1x1x16xf32>
      tpu.vector_store %arg8[%parallel_loop3A_355, %parallel_loop3A_356, %parallel_loop3A_357], %parallel_loop3A_360 {strides = array<i32>} : memref<3x400x64xf32, #tpu.memory_space<vmem>>, vector<1x1x16xf32>,
    } {sc.loop_unroll_factor = 4 : i64, sc.parallel_access}
    %add3A_42 = arith.constant 0 : i32
    %add3A_43 = arith.addi %mul3A_2, %add3A_42 : i32
    %dma_start3A_44 = arith.constant 0 : i32
    %dma_start3A_45 = arith.constant 0 : i32
    %dma_start3A_46 = arith.constant 0 : i32
    %dma_start3A_47 = arith.constant 0 : i32
    %dma_start3A_48 = tpu.memref_slice %arg8[%dma_start3A_44, %dma_start3A_46, %dma_start3A_47] : memref<3x400x64xf32, #tpu.memory_space<vmem>> -> memref<1x400x64xf32, #tpu.memory_space<vmem>>
    %dma_start3A_49 = tpu.memref_squeeze %dma_start3A_48 : memref<1x400x64xf32, #tpu.memory_space<vmem>> -> memref<400x64xf32, #tpu.memory_space<vmem>>
    %dma_start3A_50 = arith.constant 0 : i32
    %dma_start3A_51 = tpu.memref_slice %arg5[%add3A_43, %dma_start3A_50] : memref<819200x64xf32, #tpu.memory_space<hbm>> -> memref<400x64xf32, #tpu.memory_space<hbm>>
    %dma_start3A_52 = tpu.memref_slice %arg10[%dma_start3A_45] : memref<3x!tpu.dma_semaphore, #tpu.memory_space<semaphore_mem>> -> memref<1x!tpu.dma_semaphore, #tpu.memory_space<semaphore_mem>>
    %dma_start3A_53 = tpu.memref_squeeze %dma_start3A_52 : memref<1x!tpu.dma_semaphore, #tpu.memory_space<semaphore_mem>> -> memref<!tpu.dma_semaphore, #tpu.memory_space<semaphore_mem>>
    %dma_start3A_54 = arith.constant 0 : i32
    %dma_start3A_55 = tpu.memref_slice %arg5[%add3A_43, %dma_start3A_54] : memref<819200x64xf32, #tpu.memory_space<hbm>> -> memref<400x64xf32, #tpu.memory_space<hbm>>
    %dma_start3A_56 = arith.constant 0 : i32
    %dma_start3A_57 = arith.constant 0 : i32
    %dma_start3A_58 = tpu.memref_slice %arg8[%dma_start3A_44, %dma_start3A_56, %dma_start3A_57] : memref<3x400x64xf32, #tpu.memory_space<vmem>> -> memref<1x400x64xf32, #tpu.memory_space<vmem>>
    %dma_start3A_59 = tpu.memref_squeeze %dma_start3A_58 : memref<1x400x64xf32, #tpu.memory_space<vmem>> -> memref<400x64xf32, #tpu.memory_space<vmem>>
    tpu.enqueue_dma source(%dma_start3A_59 : memref<400x64xf32, #tpu.memory_space<vmem>>) target(%dma_start3A_55 : memref<400x64xf32, #tpu.memory_space<hbm>>) target_semaphore(%dma_start3A_53 : memref<!tpu.dma_semaphore, #tpu.memory_space<semaphore_mem>>)
    %dma_start3A_60 = arith.constant 2 : i32
    %dma_start3A_61 = arith.constant 2 : i32
    %dma_start3A_62 = arith.constant 0 : i32
    %dma_start3A_63 = arith.constant 0 : i32
    %dma_start3A_64 = tpu.memref_slice %arg8[%dma_start3A_60, %dma_start3A_62, %dma_start3A_63] : memref<3x400x64xf32, #tpu.memory_space<vmem>> -> memref<1x400x64xf32, #tpu.memory_space<vmem>>
    %dma_start3A_65 = tpu.memref_squeeze %dma_start3A_64 : memref<1x400x64xf32, #tpu.memory_space<vmem>> -> memref<400x64xf32, #tpu.memory_space<vmem>>
    %dma_start3A_66 = arith.constant 800 : i32
    %dma_start3A_67 = tpu.memref_slice %arg6[%dma_start3A_66] : memref<25600xi32, #tpu.memory_space<vmem>> -> memref<400xi32, #tpu.memory_space<vmem>>
    %dma_start3A_68 = arith.constant 0 : i32
    %dma_start3A_69 = arith.constant 0 : i32
    %dma_start3A_70 = tpu.memref_slice %arg3[%dma_start3A_68, %dma_start3A_69] : memref<100000x64xf32, #tpu.memory_space<hbm>> -> memref<100000x64xf32, #tpu.memory_space<hbm>>
    %dma_start3A_71 = tpu.memref_slice %arg9[%dma_start3A_61] : memref<3x!tpu.dma_semaphore, #tpu.memory_space<semaphore_mem>> -> memref<1x!tpu.dma_semaphore, #tpu.memory_space<semaphore_mem>>
    %dma_start3A_72 = tpu.memref_squeeze %dma_start3A_71 : memref<1x!tpu.dma_semaphore, #tpu.memory_space<semaphore_mem>> -> memref<!tpu.dma_semaphore, #tpu.memory_space<semaphore_mem>>
    tpu.enqueue_indirect_dma source(%dma_start3A_70 : memref<100000x64xf32, #tpu.memory_space<hbm>>) target(%dma_start3A_65 : memref<400x64xf32, #tpu.memory_space<vmem>>) offsets(%dma_start3A_67 : memref<400xi32, #tpu.memory_space<vmem>>) semaphore(%dma_start3A_72 : memref<!tpu.dma_semaphore, #tpu.memory_space<semaphore_mem>>)
    %scan3A = arith.constant 0 : i32
    %scan3A_73 = arith.constant 1 : i32
    %scan3A_74 = arith.constant 61 : i32
    %scan3A_75 = arith.addi %scan3A_73, %scan3A_74 : i32
    %scan3A_76 = arith.constant 1 : i32
    scf.for %scan3A_200 = %scan3A_73 to %scan3A_75 step %scan3A_76  : i32 {
      %rem3A = arith.constant 3 : i32
      %rem3A_201 = arith.remsi %scan3A_200, %rem3A : i32
      %add3A_202 = arith.constant 2 : i32
      %add3A_203 = arith.addi %scan3A_200, %add3A_202 : i32
      %rem3A_204 = arith.constant 3 : i32
      %rem3A_205 = arith.remsi %add3A_203, %rem3A_204 : i32
      %dma_wait3A_206 = arith.constant 0 : i32
      %dma_wait3A_207 = arith.constant 0 : i32
      %dma_wait3A_208 = tpu.memref_slice %arg8[%rem3A_201, %dma_wait3A_206, %dma_wait3A_207] : memref<3x400x64xf32, #tpu.memory_space<vmem>> -> memref<1x400x64xf32, #tpu.memory_space<vmem>>
      %dma_wait3A_209 = tpu.memref_squeeze %dma_wait3A_208 : memref<1x400x64xf32, #tpu.memory_space<vmem>> -> memref<400x64xf32, #tpu.memory_space<vmem>>
      %dma_wait3A_210 = arith.constant 0 : i32
      %dma_wait3A_211 = tpu.memref_slice %arg6[%dma_wait3A_210] : memref<25600xi32, #tpu.memory_space<vmem>> -> memref<400xi32, #tpu.memory_space<vmem>>
      %dma_wait3A_212 = arith.constant 0 : i32
      %dma_wait3A_213 = arith.constant 0 : i32
      %dma_wait3A_214 = tpu.memref_slice %arg3[%dma_wait3A_212, %dma_wait3A_213] : memref<100000x64xf32, #tpu.memory_space<hbm>> -> memref<100000x64xf32, #tpu.memory_space<hbm>>
      %dma_wait3A_215 = tpu.memref_slice %arg9[%rem3A_201] : memref<3x!tpu.dma_semaphore, #tpu.memory_space<semaphore_mem>> -> memref<1x!tpu.dma_semaphore, #tpu.memory_space<semaphore_mem>>
      %dma_wait3A_216 = tpu.memref_squeeze %dma_wait3A_215 : memref<1x!tpu.dma_semaphore, #tpu.memory_space<semaphore_mem>> -> memref<!tpu.dma_semaphore, #tpu.memory_space<semaphore_mem>>
      tpu.wait_indirect_dma semaphore(%dma_wait3A_216 : memref<!tpu.dma_semaphore, #tpu.memory_space<semaphore_mem>>) src(%dma_wait3A_214 : memref<100000x64xf32, #tpu.memory_space<hbm>>) dst(%dma_wait3A_209 : memref<400x64xf32, #tpu.memory_space<vmem>>)
      %parallel_loop3A_217 = arith.constant 0 : i32
      %parallel_loop3A_218 = arith.constant 200 : i32
      %parallel_loop3A_219 = arith.constant 1 : i32
      scf.for %parallel_loop3A_269 = %parallel_loop3A_217 to %parallel_loop3A_218 step %parallel_loop3A_219  : i32 {
        %parallel_loop3A_270 = arith.index_cast %parallel_loop3A_269 : i32 to index
        %parallel_loop3A_271 = arith.constant 0 : index
        %parallel_loop3A_272 = tpu.vector_load %arg7[%parallel_loop3A_270, %parallel_loop3A_271] {strides = array<i32>} : memref<200x64xf32, #tpu.memory_space<vmem>>, vector<1x16xf32>,
        %parallel_loop3A_273 = vector.shape_cast %parallel_loop3A_272 : vector<1x16xf32> to vector<16xf32>
        %parallel_loop3A_274 = arith.constant 0 : i32
        %parallel_loop3A_275 = arith.addi %parallel_loop3A_274, %parallel_loop3A_269 : i32
        %parallel_loop3A_276 = arith.index_cast %rem3A_201 : i32 to index
        %parallel_loop3A_277 = arith.index_cast %parallel_loop3A_275 : i32 to index
        %parallel_loop3A_278 = arith.constant 0 : index
        %parallel_loop3A_279 = tpu.vector_load %arg8[%parallel_loop3A_276, %parallel_loop3A_277, %parallel_loop3A_278] {strides = array<i32>} : memref<3x400x64xf32, #tpu.memory_space<vmem>>, vector<1x1x16xf32>,
        %parallel_loop3A_280 = vector.shape_cast %parallel_loop3A_279 : vector<1x1x16xf32> to vector<16xf32>
        %parallel_loop3A_281 = arith.addf %parallel_loop3A_280, %parallel_loop3A_273 : vector<16xf32>
        %parallel_loop3A_282 = arith.constant 0 : i32
        %parallel_loop3A_283 = arith.addi %parallel_loop3A_282, %parallel_loop3A_269 : i32
        %parallel_loop3A_284 = arith.index_cast %rem3A_201 : i32 to index
        %parallel_loop3A_285 = arith.index_cast %parallel_loop3A_283 : i32 to index
        %parallel_loop3A_286 = arith.constant 0 : index
        %parallel_loop3A_287 = tpu.vector_load %arg8[%parallel_loop3A_284, %parallel_loop3A_285, %parallel_loop3A_286] {strides = array<i32>} : memref<3x400x64xf32, #tpu.memory_space<vmem>>, vector<1x1x16xf32>,
        %parallel_loop3A_288 = vector.shape_cast %parallel_loop3A_287 : vector<1x1x16xf32> to vector<16xf32>
        %parallel_loop3A_289 = vector.shape_cast %parallel_loop3A_281 : vector<16xf32> to vector<1x1x16xf32>
        tpu.vector_store %arg8[%parallel_loop3A_284, %parallel_loop3A_285, %parallel_loop3A_286], %parallel_loop3A_289 {strides = array<i32>} : memref<3x400x64xf32, #tpu.memory_space<vmem>>, vector<1x1x16xf32>,
        %parallel_loop3A_290 = arith.constant 200 : i32
        %parallel_loop3A_291 = arith.addi %parallel_loop3A_290, %parallel_loop3A_269 : i32
        %parallel_loop3A_292 = arith.index_cast %rem3A_201 : i32 to index
        %parallel_loop3A_293 = arith.index_cast %parallel_loop3A_291 : i32 to index
        %parallel_loop3A_294 = arith.constant 0 : index
        %parallel_loop3A_295 = tpu.vector_load %arg8[%parallel_loop3A_292, %parallel_loop3A_293, %parallel_loop3A_294] {strides = array<i32>} : memref<3x400x64xf32, #tpu.memory_space<vmem>>, vector<1x1x16xf32>,
        %parallel_loop3A_296 = vector.shape_cast %parallel_loop3A_295 : vector<1x1x16xf32> to vector<16xf32>
        %parallel_loop3A_297 = arith.addf %parallel_loop3A_296, %parallel_loop3A_273 : vector<16xf32>
        %parallel_loop3A_298 = arith.constant 200 : i32
        %parallel_loop3A_299 = arith.addi %parallel_loop3A_298, %parallel_loop3A_269 : i32
        %parallel_loop3A_300 = arith.index_cast %rem3A_201 : i32 to index
        %parallel_loop3A_301 = arith.index_cast %parallel_loop3A_299 : i32 to index
        %parallel_loop3A_302 = arith.constant 0 : index
        %parallel_loop3A_303 = tpu.vector_load %arg8[%parallel_loop3A_300, %parallel_loop3A_301, %parallel_loop3A_302] {strides = array<i32>} : memref<3x400x64xf32, #tpu.memory_space<vmem>>, vector<1x1x16xf32>,
        %parallel_loop3A_304 = vector.shape_cast %parallel_loop3A_303 : vector<1x1x16xf32> to vector<16xf32>
        %parallel_loop3A_305 = vector.shape_cast %parallel_loop3A_297 : vector<16xf32> to vector<1x1x16xf32>
        tpu.vector_store %arg8[%parallel_loop3A_300, %parallel_loop3A_301, %parallel_loop3A_302], %parallel_loop3A_305 {strides = array<i32>} : memref<3x400x64xf32, #tpu.memory_space<vmem>>, vector<1x1x16xf32>,
        %parallel_loop3A_306 = arith.index_cast %parallel_loop3A_269 : i32 to index
        %parallel_loop3A_307 = arith.constant 16 : index
        %parallel_loop3A_308 = tpu.vector_load %arg7[%parallel_loop3A_306, %parallel_loop3A_307] {strides = array<i32>} : memref<200x64xf32, #tpu.memory_space<vmem>>, vector<1x16xf32>,
        %parallel_loop3A_309 = vector.shape_cast %parallel_loop3A_308 : vector<1x16xf32> to vector<16xf32>
        %parallel_loop3A_310 = arith.constant 0 : i32
        %parallel_loop3A_311 = arith.addi %parallel_loop3A_310, %parallel_loop3A_269 : i32
        %parallel_loop3A_312 = arith.index_cast %rem3A_201 : i32 to index
        %parallel_loop3A_313 = arith.index_cast %parallel_loop3A_311 : i32 to index
        %parallel_loop3A_314 = arith.constant 16 : index
        %parallel_loop3A_315 = tpu.vector_load %arg8[%parallel_loop3A_312, %parallel_loop3A_313, %parallel_loop3A_314] {strides = array<i32>} : memref<3x400x64xf32, #tpu.memory_space<vmem>>, vector<1x1x16xf32>,
        %parallel_loop3A_316 = vector.shape_cast %parallel_loop3A_315 : vector<1x1x16xf32> to vector<16xf32>
        %parallel_loop3A_317 = arith.addf %parallel_loop3A_316, %parallel_loop3A_309 : vector<16xf32>
        %parallel_loop3A_318 = arith.constant 0 : i32
        %parallel_loop3A_319 = arith.addi %parallel_loop3A_318, %parallel_loop3A_269 : i32
        %parallel_loop3A_320 = arith.index_cast %rem3A_201 : i32 to index
        %parallel_loop3A_321 = arith.index_cast %parallel_loop3A_319 : i32 to index
        %parallel_loop3A_322 = arith.constant 16 : index
        %parallel_loop3A_323 = tpu.vector_load %arg8[%parallel_loop3A_320, %parallel_loop3A_321, %parallel_loop3A_322] {strides = array<i32>} : memref<3x400x64xf32, #tpu.memory_space<vmem>>, vector<1x1x16xf32>,
        %parallel_loop3A_324 = vector.shape_cast %parallel_loop3A_323 : vector<1x1x16xf32> to vector<16xf32>
        %parallel_loop3A_325 = vector.shape_cast %parallel_loop3A_317 : vector<16xf32> to vector<1x1x16xf32>
        tpu.vector_store %arg8[%parallel_loop3A_320, %parallel_loop3A_321, %parallel_loop3A_322], %parallel_loop3A_325 {strides = array<i32>} : memref<3x400x64xf32, #tpu.memory_space<vmem>>, vector<1x1x16xf32>,
        %parallel_loop3A_326 = arith.constant 200 : i32
        %parallel_loop3A_327 = arith.addi %parallel_loop3A_326, %parallel_loop3A_269 : i32
        %parallel_loop3A_328 = arith.index_cast %rem3A_201 : i32 to index
        %parallel_loop3A_329 = arith.index_cast %parallel_loop3A_327 : i32 to index
        %parallel_loop3A_330 = arith.constant 16 : index
        %parallel_loop3A_331 = tpu.vector_load %arg8[%parallel_loop3A_328, %parallel_loop3A_329, %parallel_loop3A_330] {strides = array<i32>} : memref<3x400x64xf32, #tpu.memory_space<vmem>>, vector<1x1x16xf32>,
        %parallel_loop3A_332 = vector.shape_cast %parallel_loop3A_331 : vector<1x1x16xf32> to vector<16xf32>
        %parallel_loop3A_333 = arith.addf %parallel_loop3A_332, %parallel_loop3A_309 : vector<16xf32>
        %parallel_loop3A_334 = arith.constant 200 : i32
        %parallel_loop3A_335 = arith.addi %parallel_loop3A_334, %parallel_loop3A_269 : i32
        %parallel_loop3A_336 = arith.index_cast %rem3A_201 : i32 to index
        %parallel_loop3A_337 = arith.index_cast %parallel_loop3A_335 : i32 to index
        %parallel_loop3A_338 = arith.constant 16 : index
        %parallel_loop3A_339 = tpu.vector_load %arg8[%parallel_loop3A_336, %parallel_loop3A_337, %parallel_loop3A_338] {strides = array<i32>} : memref<3x400x64xf32, #tpu.memory_space<vmem>>, vector<1x1x16xf32>,
        %parallel_loop3A_340 = vector.shape_cast %parallel_loop3A_339 : vector<1x1x16xf32> to vector<16xf32>
        %parallel_loop3A_341 = vector.shape_cast %parallel_loop3A_333 : vector<16xf32> to vector<1x1x16xf32>
        tpu.vector_store %arg8[%parallel_loop3A_336, %parallel_loop3A_337, %parallel_loop3A_338], %parallel_loop3A_341 {strides = array<i32>} : memref<3x400x64xf32, #tpu.memory_space<vmem>>, vector<1x1x16xf32>,
        %parallel_loop3A_342 = arith.index_cast %parallel_loop3A_269 : i32 to index
        %parallel_loop3A_343 = arith.constant 32 : index
        %parallel_loop3A_344 = tpu.vector_load %arg7[%parallel_loop3A_342, %parallel_loop3A_343] {strides = array<i32>} : memref<200x64xf32, #tpu.memory_space<vmem>>, vector<1x16xf32>,
        %parallel_loop3A_345 = vector.shape_cast %parallel_loop3A_344 : vector<1x16xf32> to vector<16xf32>
        %parallel_loop3A_346 = arith.constant 0 : i32
        %parallel_loop3A_347 = arith.addi %parallel_loop3A_346, %parallel_loop3A_269 : i32
        %parallel_loop3A_348 = arith.index_cast %rem3A_201 : i32 to index
        %parallel_loop3A_349 = arith.index_cast %parallel_loop3A_347 : i32 to index
        %parallel_loop3A_350 = arith.constant 32 : index
        %parallel_loop3A_351 = tpu.vector_load %arg8[%parallel_loop3A_348, %parallel_loop3A_349, %parallel_loop3A_350] {strides = array<i32>} : memref<3x400x64xf32, #tpu.memory_space<vmem>>, vector<1x1x16xf32>,
        %parallel_loop3A_352 = vector.shape_cast %parallel_loop3A_351 : vector<1x1x16xf32> to vector<16xf32>
        %parallel_loop3A_353 = arith.addf %parallel_loop3A_352, %parallel_loop3A_345 : vector<16xf32>
        %parallel_loop3A_354 = arith.constant 0 : i32
        %parallel_loop3A_355 = arith.addi %parallel_loop3A_354, %parallel_loop3A_269 : i32
        %parallel_loop3A_356 = arith.index_cast %rem3A_201 : i32 to index
        %parallel_loop3A_357 = arith.index_cast %parallel_loop3A_355 : i32 to index
        %parallel_loop3A_358 = arith.constant 32 : index
        %parallel_loop3A_359 = tpu.vector_load %arg8[%parallel_loop3A_356, %parallel_loop3A_357, %parallel_loop3A_358] {strides = array<i32>} : memref<3x400x64xf32, #tpu.memory_space<vmem>>, vector<1x1x16xf32>,
        %parallel_loop3A_360 = vector.shape_cast %parallel_loop3A_359 : vector<1x1x16xf32> to vector<16xf32>
        %parallel_loop3A_361 = vector.shape_cast %parallel_loop3A_353 : vector<16xf32> to vector<1x1x16xf32>
        tpu.vector_store %arg8[%parallel_loop3A_356, %parallel_loop3A_357, %parallel_loop3A_358], %parallel_loop3A_361 {strides = array<i32>} : memref<3x400x64xf32, #tpu.memory_space<vmem>>, vector<1x1x16xf32>,
        %parallel_loop3A_362 = arith.constant 200 : i32
        %parallel_loop3A_363 = arith.addi %parallel_loop3A_362, %parallel_loop3A_269 : i32
        %parallel_loop3A_364 = arith.index_cast %rem3A_201 : i32 to index
        %parallel_loop3A_365 = arith.index_cast %parallel_loop3A_363 : i32 to index
        %parallel_loop3A_366 = arith.constant 32 : index
        %parallel_loop3A_367 = tpu.vector_load %arg8[%parallel_loop3A_364, %parallel_loop3A_365, %parallel_loop3A_366] {strides = array<i32>} : memref<3x400x64xf32, #tpu.memory_space<vmem>>, vector<1x1x16xf32>,
        %parallel_loop3A_368 = vector.shape_cast %parallel_loop3A_367 : vector<1x1x16xf32> to vector<16xf32>
        %parallel_loop3A_369 = arith.addf %parallel_loop3A_368, %parallel_loop3A_345 : vector<16xf32>
        %parallel_loop3A_370 = arith.constant 200 : i32
        %parallel_loop3A_371 = arith.addi %parallel_loop3A_370, %parallel_loop3A_269 : i32
        %parallel_loop3A_372 = arith.index_cast %rem3A_201 : i32 to index
        %parallel_loop3A_373 = arith.index_cast %parallel_loop3A_371 : i32 to index
        %parallel_loop3A_374 = arith.constant 32 : index
        %parallel_loop3A_375 = tpu.vector_load %arg8[%parallel_loop3A_372, %parallel_loop3A_373, %parallel_loop3A_374] {strides = array<i32>} : memref<3x400x64xf32, #tpu.memory_space<vmem>>, vector<1x1x16xf32>,
        %parallel_loop3A_376 = vector.shape_cast %parallel_loop3A_375 : vector<1x1x16xf32> to vector<16xf32>
        %parallel_loop3A_377 = vector.shape_cast %parallel_loop3A_369 : vector<16xf32> to vector<1x1x16xf32>
        tpu.vector_store %arg8[%parallel_loop3A_372, %parallel_loop3A_373, %parallel_loop3A_374], %parallel_loop3A_377 {strides = array<i32>} : memref<3x400x64xf32, #tpu.memory_space<vmem>>, vector<1x1x16xf32>,
        %parallel_loop3A_378 = arith.index_cast %parallel_loop3A_269 : i32 to index
        %parallel_loop3A_379 = arith.constant 48 : index
        %parallel_loop3A_380 = tpu.vector_load %arg7[%parallel_loop3A_378, %parallel_loop3A_379] {strides = array<i32>} : memref<200x64xf32, #tpu.memory_space<vmem>>, vector<1x16xf32>,
        %parallel_loop3A_381 = vector.shape_cast %parallel_loop3A_380 : vector<1x16xf32> to vector<16xf32>
        %parallel_loop3A_382 = arith.constant 0 : i32
        %parallel_loop3A_383 = arith.addi %parallel_loop3A_382, %parallel_loop3A_269 : i32
        %parallel_loop3A_384 = arith.index_cast %rem3A_201 : i32 to index
        %parallel_loop3A_385 = arith.index_cast %parallel_loop3A_383 : i32 to index
        %parallel_loop3A_386 = arith.constant 48 : index
        %parallel_loop3A_387 = tpu.vector_load %arg8[%parallel_loop3A_384, %parallel_loop3A_385, %parallel_loop3A_386] {strides = array<i32>} : memref<3x400x64xf32, #tpu.memory_space<vmem>>, vector<1x1x16xf32>,
        %parallel_loop3A_388 = vector.shape_cast %parallel_loop3A_387 : vector<1x1x16xf32> to vector<16xf32>
        %parallel_loop3A_389 = arith.addf %parallel_loop3A_388, %parallel_loop3A_381 : vector<16xf32>
        %parallel_loop3A_390 = arith.constant 0 : i32
        %parallel_loop3A_391 = arith.addi %parallel_loop3A_390, %parallel_loop3A_269 : i32
        %parallel_loop3A_392 = arith.index_cast %rem3A_201 : i32 to index
        %parallel_loop3A_393 = arith.index_cast %parallel_loop3A_391 : i32 to index
        %parallel_loop3A_394 = arith.constant 48 : index
        %parallel_loop3A_395 = tpu.vector_load %arg8[%parallel_loop3A_392, %parallel_loop3A_393, %parallel_loop3A_394] {strides = array<i32>} : memref<3x400x64xf32, #tpu.memory_space<vmem>>, vector<1x1x16xf32>,
        %parallel_loop3A_396 = vector.shape_cast %parallel_loop3A_395 : vector<1x1x16xf32> to vector<16xf32>
        %parallel_loop3A_397 = vector.shape_cast %parallel_loop3A_389 : vector<16xf32> to vector<1x1x16xf32>
        tpu.vector_store %arg8[%parallel_loop3A_392, %parallel_loop3A_393, %parallel_loop3A_394], %parallel_loop3A_397 {strides = array<i32>} : memref<3x400x64xf32, #tpu.memory_space<vmem>>, vector<1x1x16xf32>,
        %parallel_loop3A_398 = arith.constant 200 : i32
        %parallel_loop3A_399 = arith.addi %parallel_loop3A_398, %parallel_loop3A_269 : i32
        %parallel_loop3A_400 = arith.index_cast %rem3A_201 : i32 to index
        %parallel_loop3A_401 = arith.index_cast %parallel_loop3A_399 : i32 to index
        %parallel_loop3A_402 = arith.constant 48 : index
        %parallel_loop3A_403 = tpu.vector_load %arg8[%parallel_loop3A_400, %parallel_loop3A_401, %parallel_loop3A_402] {strides = array<i32>} : memref<3x400x64xf32, #tpu.memory_space<vmem>>, vector<1x1x16xf32>,
        %parallel_loop3A_404 = vector.shape_cast %parallel_loop3A_403 : vector<1x1x16xf32> to vector<16xf32>
        %parallel_loop3A_405 = arith.addf %parallel_loop3A_404, %parallel_loop3A_381 : vector<16xf32>
        %parallel_loop3A_406 = arith.constant 200 : i32
        %parallel_loop3A_407 = arith.addi %parallel_loop3A_406, %parallel_loop3A_269 : i32
        %parallel_loop3A_408 = arith.index_cast %rem3A_201 : i32 to index
        %parallel_loop3A_409 = arith.index_cast %parallel_loop3A_407 : i32 to index
        %parallel_loop3A_410 = arith.constant 48 : index
        %parallel_loop3A_411 = tpu.vector_load %arg8[%parallel_loop3A_408, %parallel_loop3A_409, %parallel_loop3A_410] {strides = array<i32>} : memref<3x400x64xf32, #tpu.memory_space<vmem>>, vector<1x1x16xf32>,
        %parallel_loop3A_412 = vector.shape_cast %parallel_loop3A_411 : vector<1x1x16xf32> to vector<16xf32>
        %parallel_loop3A_413 = vector.shape_cast %parallel_loop3A_405 : vector<16xf32> to vector<1x1x16xf32>
        tpu.vector_store %arg8[%parallel_loop3A_408, %parallel_loop3A_409, %parallel_loop3A_410], %parallel_loop3A_413 {strides = array<i32>} : memref<3x400x64xf32, #tpu.memory_space<vmem>>, vector<1x1x16xf32>,
      } {sc.loop_unroll_factor = 4 : i64, sc.parallel_access}
      %mul3A_220 = arith.constant 400 : i32
      %mul3A_221 = arith.muli %mul3A_220, %scan3A_200 : i32
      %add3A_222 = arith.addi %mul3A_2, %mul3A_221 : i32
      %dma_start3A_223 = arith.constant 0 : i32
      %dma_start3A_224 = arith.constant 0 : i32
      %dma_start3A_225 = tpu.memref_slice %arg8[%rem3A_201, %dma_start3A_223, %dma_start3A_224] : memref<3x400x64xf32, #tpu.memory_space<vmem>> -> memref<1x400x64xf32, #tpu.memory_space<vmem>>
      %dma_start3A_226 = tpu.memref_squeeze %dma_start3A_225 : memref<1x400x64xf32, #tpu.memory_space<vmem>> -> memref<400x64xf32, #tpu.memory_space<vmem>>
      %dma_start3A_227 = arith.constant 0 : i32
      %dma_start3A_228 = tpu.memref_slice %arg5[%add3A_222, %dma_start3A_227] : memref<819200x64xf32, #tpu.memory_space<hbm>> -> memref<400x64xf32, #tpu.memory_space<hbm>>
      %dma_start3A_229 = tpu.memref_slice %arg10[%rem3A_201] : memref<3x!tpu.dma_semaphore, #tpu.memory_space<semaphore_mem>> -> memref<1x!tpu.dma_semaphore, #tpu.memory_space<semaphore_mem>>
      %dma_start3A_230 = tpu.memref_squeeze %dma_start3A_229 : memref<1x!tpu.dma_semaphore, #tpu.memory_space<semaphore_mem>> -> memref<!tpu.dma_semaphore, #tpu.memory_space<semaphore_mem>>
      %dma_start3A_231 = arith.constant 0 : i32
      %dma_start3A_232 = tpu.memref_slice %arg5[%add3A_222, %dma_start3A_231] : memref<819200x64xf32, #tpu.memory_space<hbm>> -> memref<400x64xf32, #tpu.memory_space<hbm>>
      %dma_start3A_233 = arith.constant 0 : i32
      %dma_start3A_234 = arith.constant 0 : i32
      %dma_start3A_235 = tpu.memref_slice %arg8[%rem3A_201, %dma_start3A_233, %dma_start3A_234] : memref<3x400x64xf32, #tpu.memory_space<vmem>> -> memref<1x400x64xf32, #tpu.memory_space<vmem>>
      %dma_start3A_236 = tpu.memref_squeeze %dma_start3A_235 : memref<1x400x64xf32, #tpu.memory_space<vmem>> -> memref<400x64xf32, #tpu.memory_space<vmem>>
      tpu.enqueue_dma source(%dma_start3A_236 : memref<400x64xf32, #tpu.memory_space<vmem>>) target(%dma_start3A_232 : memref<400x64xf32, #tpu.memory_space<hbm>>) target_semaphore(%dma_start3A_230 : memref<!tpu.dma_semaphore, #tpu.memory_space<semaphore_mem>>)
      %sub3A = arith.constant 1 : i32
      %sub3A_237 = arith.subi %scan3A_200, %sub3A : i32
      %mul3A_238 = arith.constant 400 : i32
      %mul3A_239 = arith.muli %mul3A_238, %sub3A_237 : i32
      %add3A_240 = arith.addi %mul3A_2, %mul3A_239 : i32
      %dma_wait3A_241 = arith.constant 0 : i32
      %dma_wait3A_242 = arith.constant 0 : i32
      %dma_wait3A_243 = tpu.memref_slice %arg8[%rem3A_205, %dma_wait3A_241, %dma_wait3A_242] : memref<3x400x64xf32, #tpu.memory_space<vmem>> -> memref<1x400x64xf32, #tpu.memory_space<vmem>>
      %dma_wait3A_244 = tpu.memref_squeeze %dma_wait3A_243 : memref<1x400x64xf32, #tpu.memory_space<vmem>> -> memref<400x64xf32, #tpu.memory_space<vmem>>
      %dma_wait3A_245 = arith.constant 0 : i32
      %dma_wait3A_246 = tpu.memref_slice %arg5[%add3A_240, %dma_wait3A_245] : memref<819200x64xf32, #tpu.memory_space<hbm>> -> memref<400x64xf32, #tpu.memory_space<hbm>>
      %dma_wait3A_247 = tpu.memref_slice %arg10[%rem3A_205] : memref<3x!tpu.dma_semaphore, #tpu.memory_space<semaphore_mem>> -> memref<1x!tpu.dma_semaphore, #tpu.memory_space<semaphore_mem>>
      %dma_wait3A_248 = tpu.memref_squeeze %dma_wait3A_247 : memref<1x!tpu.dma_semaphore, #tpu.memory_space<semaphore_mem>> -> memref<!tpu.dma_semaphore, #tpu.memory_space<semaphore_mem>>
      %dma_wait3A_249 = arith.constant 0 : i32
      %dma_wait3A_250 = tpu.memref_slice %arg5[%add3A_240, %dma_wait3A_249] : memref<819200x64xf32, #tpu.memory_space<hbm>> -> memref<400x64xf32, #tpu.memory_space<hbm>>
      %dma_wait3A_251 = arith.constant 0 : i32
      %dma_wait3A_252 = arith.constant 0 : i32
      %dma_wait3A_253 = tpu.memref_slice %arg8[%rem3A_205, %dma_wait3A_251, %dma_wait3A_252] : memref<3x400x64xf32, #tpu.memory_space<vmem>> -> memref<1x400x64xf32, #tpu.memory_space<vmem>>
      %dma_wait3A_254 = tpu.memref_squeeze %dma_wait3A_253 : memref<1x400x64xf32, #tpu.memory_space<vmem>> -> memref<400x64xf32, #tpu.memory_space<vmem>>
      tpu.wait_dma2 semaphore(%dma_wait3A_248 : memref<!tpu.dma_semaphore, #tpu.memory_space<semaphore_mem>>) src(%dma_wait3A_254 : memref<400x64xf32, #tpu.memory_space<vmem>>) dst(%dma_wait3A_250 : memref<400x64xf32, #tpu.memory_space<hbm>>)
      %add3A_255 = arith.constant 2 : i32
      %add3A_256 = arith.addi %scan3A_200, %add3A_255 : i32
      %mul3A_257 = arith.constant 400 : i32
      %mul3A_258 = arith.muli %mul3A_257, %add3A_256 : i32
      %dma_start3A_259 = arith.constant 0 : i32
      %dma_start3A_260 = arith.constant 0 : i32
      %dma_start3A_261 = tpu.memref_slice %arg8[%rem3A_205, %dma_start3A_259, %dma_start3A_260] : memref<3x400x64xf32, #tpu.memory_space<vmem>> -> memref<1x400x64xf32, #tpu.memory_space<vmem>>
      %dma_start3A_262 = tpu.memref_squeeze %dma_start3A_261 : memref<1x400x64xf32, #tpu.memory_space<vmem>> -> memref<400x64xf32, #tpu.memory_space<vmem>>
      %dma_start3A_263 = tpu.memref_slice %arg6[%mul3A_258] : memref<25600xi32, #tpu.memory_space<vmem>> -> memref<400xi32, #tpu.memory_space<vmem>>
      %dma_start3A_264 = arith.constant 0 : i32
      %dma_start3A_265 = arith.constant 0 : i32
      %dma_start3A_266 = tpu.memref_slice %arg3[%dma_start3A_264, %dma_start3A_265] : memref<100000x64xf32, #tpu.memory_space<hbm>> -> memref<100000x64xf32, #tpu.memory_space<hbm>>
      %dma_start3A_267 = tpu.memref_slice %arg9[%rem3A_205] : memref<3x!tpu.dma_semaphore, #tpu.memory_space<semaphore_mem>> -> memref<1x!tpu.dma_semaphore, #tpu.memory_space<semaphore_mem>>
      %dma_start3A_268 = tpu.memref_squeeze %dma_start3A_267 : memref<1x!tpu.dma_semaphore, #tpu.memory_space<semaphore_mem>> -> memref<!tpu.dma_semaphore, #tpu.memory_space<semaphore_mem>>
      tpu.enqueue_indirect_dma source(%dma_start3A_266 : memref<100000x64xf32, #tpu.memory_space<hbm>>) target(%dma_start3A_262 : memref<400x64xf32, #tpu.memory_space<vmem>>) offsets(%dma_start3A_263 : memref<400xi32, #tpu.memory_space<vmem>>) semaphore(%dma_start3A_268 : memref<!tpu.dma_semaphore, #tpu.memory_space<semaphore_mem>>)
    }
    %scan3A_77 = arith.constant 61 : i32
    %dma_wait3A_78 = arith.constant 2 : i32
    %dma_wait3A_79 = arith.constant 2 : i32
    %dma_wait3A_80 = arith.constant 0 : i32
    %dma_wait3A_81 = arith.constant 0 : i32
    %dma_wait3A_82 = tpu.memref_slice %arg8[%dma_wait3A_78, %dma_wait3A_80, %dma_wait3A_81] : memref<3x400x64xf32, #tpu.memory_space<vmem>> -> memref<1x400x64xf32, #tpu.memory_space<vmem>>
    %dma_wait3A_83 = tpu.memref_squeeze %dma_wait3A_82 : memref<1x400x64xf32, #tpu.memory_space<vmem>> -> memref<400x64xf32, #tpu.memory_space<vmem>>
    %dma_wait3A_84 = arith.constant 0 : i32
    %dma_wait3A_85 = tpu.memref_slice %arg6[%dma_wait3A_84] : memref<25600xi32, #tpu.memory_space<vmem>> -> memref<400xi32, #tpu.memory_space<vmem>>
    %dma_wait3A_86 = arith.constant 0 : i32
    %dma_wait3A_87 = arith.constant 0 : i32
    %dma_wait3A_88 = tpu.memref_slice %arg3[%dma_wait3A_86, %dma_wait3A_87] : memref<100000x64xf32, #tpu.memory_space<hbm>> -> memref<100000x64xf32, #tpu.memory_space<hbm>>
    %dma_wait3A_89 = tpu.memref_slice %arg9[%dma_wait3A_79] : memref<3x!tpu.dma_semaphore, #tpu.memory_space<semaphore_mem>> -> memref<1x!tpu.dma_semaphore, #tpu.memory_space<semaphore_mem>>
    %dma_wait3A_90 = tpu.memref_squeeze %dma_wait3A_89 : memref<1x!tpu.dma_semaphore, #tpu.memory_space<semaphore_mem>> -> memref<!tpu.dma_semaphore, #tpu.memory_space<semaphore_mem>>
    tpu.wait_indirect_dma semaphore(%dma_wait3A_90 : memref<!tpu.dma_semaphore, #tpu.memory_space<semaphore_mem>>) src(%dma_wait3A_88 : memref<100000x64xf32, #tpu.memory_space<hbm>>) dst(%dma_wait3A_83 : memref<400x64xf32, #tpu.memory_space<vmem>>)
    %parallel_loop3A_91 = arith.constant 0 : i32
    %parallel_loop3A_92 = arith.constant 200 : i32
    %parallel_loop3A_93 = arith.constant 1 : i32
    scf.for %parallel_loop3A_200 = %parallel_loop3A_91 to %parallel_loop3A_92 step %parallel_loop3A_93  : i32 {
      %parallel_loop3A_201 = arith.index_cast %parallel_loop3A_200 : i32 to index
      %parallel_loop3A_202 = arith.constant 0 : index
      %parallel_loop3A_203 = tpu.vector_load %arg7[%parallel_loop3A_201, %parallel_loop3A_202] {strides = array<i32>} : memref<200x64xf32, #tpu.memory_space<vmem>>, vector<1x16xf32>,
      %parallel_loop3A_204 = vector.shape_cast %parallel_loop3A_203 : vector<1x16xf32> to vector<16xf32>
      %parallel_loop3A_205 = arith.constant 0 : i32
      %parallel_loop3A_206 = arith.addi %parallel_loop3A_205, %parallel_loop3A_200 : i32
      %parallel_loop3A_207 = arith.constant 2 : i32
      %parallel_loop3A_208 = arith.index_cast %parallel_loop3A_207 : i32 to index
      %parallel_loop3A_209 = arith.index_cast %parallel_loop3A_206 : i32 to index
      %parallel_loop3A_210 = arith.constant 0 : index
      %parallel_loop3A_211 = tpu.vector_load %arg8[%parallel_loop3A_208, %parallel_loop3A_209, %parallel_loop3A_210] {strides = array<i32>} : memref<3x400x64xf32, #tpu.memory_space<vmem>>, vector<1x1x16xf32>,
      %parallel_loop3A_212 = vector.shape_cast %parallel_loop3A_211 : vector<1x1x16xf32> to vector<16xf32>
      %parallel_loop3A_213 = arith.addf %parallel_loop3A_212, %parallel_loop3A_204 : vector<16xf32>
      %parallel_loop3A_214 = arith.constant 0 : i32
      %parallel_loop3A_215 = arith.addi %parallel_loop3A_214, %parallel_loop3A_200 : i32
      %parallel_loop3A_216 = arith.constant 2 : i32
      %parallel_loop3A_217 = arith.index_cast %parallel_loop3A_216 : i32 to index
      %parallel_loop3A_218 = arith.index_cast %parallel_loop3A_215 : i32 to index
      %parallel_loop3A_219 = arith.constant 0 : index
      %parallel_loop3A_220 = tpu.vector_load %arg8[%parallel_loop3A_217, %parallel_loop3A_218, %parallel_loop3A_219] {strides = array<i32>} : memref<3x400x64xf32, #tpu.memory_space<vmem>>, vector<1x1x16xf32>,
      %parallel_loop3A_221 = vector.shape_cast %parallel_loop3A_220 : vector<1x1x16xf32> to vector<16xf32>
      %parallel_loop3A_222 = vector.shape_cast %parallel_loop3A_213 : vector<16xf32> to vector<1x1x16xf32>
      tpu.vector_store %arg8[%parallel_loop3A_217, %parallel_loop3A_218, %parallel_loop3A_219], %parallel_loop3A_222 {strides = array<i32>} : memref<3x400x64xf32, #tpu.memory_space<vmem>>, vector<1x1x16xf32>,
      %parallel_loop3A_223 = arith.constant 200 : i32
      %parallel_loop3A_224 = arith.addi %parallel_loop3A_223, %parallel_loop3A_200 : i32
      %parallel_loop3A_225 = arith.constant 2 : i32
      %parallel_loop3A_226 = arith.index_cast %parallel_loop3A_225 : i32 to index
      %parallel_loop3A_227 = arith.index_cast %parallel_loop3A_224 : i32 to index
      %parallel_loop3A_228 = arith.constant 0 : index
      %parallel_loop3A_229 = tpu.vector_load %arg8[%parallel_loop3A_226, %parallel_loop3A_227, %parallel_loop3A_228] {strides = array<i32>} : memref<3x400x64xf32, #tpu.memory_space<vmem>>, vector<1x1x16xf32>,
      %parallel_loop3A_230 = vector.shape_cast %parallel_loop3A_229 : vector<1x1x16xf32> to vector<16xf32>
      %parallel_loop3A_231 = arith.addf %parallel_loop3A_230, %parallel_loop3A_204 : vector<16xf32>
      %parallel_loop3A_232 = arith.constant 200 : i32
      %parallel_loop3A_233 = arith.addi %parallel_loop3A_232, %parallel_loop3A_200 : i32
      %parallel_loop3A_234 = arith.constant 2 : i32
      %parallel_loop3A_235 = arith.index_cast %parallel_loop3A_234 : i32 to index
      %parallel_loop3A_236 = arith.index_cast %parallel_loop3A_233 : i32 to index
      %parallel_loop3A_237 = arith.constant 0 : index
      %parallel_loop3A_238 = tpu.vector_load %arg8[%parallel_loop3A_235, %parallel_loop3A_236, %parallel_loop3A_237] {strides = array<i32>} : memref<3x400x64xf32, #tpu.memory_space<vmem>>, vector<1x1x16xf32>,
      %parallel_loop3A_239 = vector.shape_cast %parallel_loop3A_238 : vector<1x1x16xf32> to vector<16xf32>
      %parallel_loop3A_240 = vector.shape_cast %parallel_loop3A_231 : vector<16xf32> to vector<1x1x16xf32>
      tpu.vector_store %arg8[%parallel_loop3A_235, %parallel_loop3A_236, %parallel_loop3A_237], %parallel_loop3A_240 {strides = array<i32>} : memref<3x400x64xf32, #tpu.memory_space<vmem>>, vector<1x1x16xf32>,
      %parallel_loop3A_241 = arith.index_cast %parallel_loop3A_200 : i32 to index
      %parallel_loop3A_242 = arith.constant 16 : index
      %parallel_loop3A_243 = tpu.vector_load %arg7[%parallel_loop3A_241, %parallel_loop3A_242] {strides = array<i32>} : memref<200x64xf32, #tpu.memory_space<vmem>>, vector<1x16xf32>,
      %parallel_loop3A_244 = vector.shape_cast %parallel_loop3A_243 : vector<1x16xf32> to vector<16xf32>
      %parallel_loop3A_245 = arith.constant 0 : i32
      %parallel_loop3A_246 = arith.addi %parallel_loop3A_245, %parallel_loop3A_200 : i32
      %parallel_loop3A_247 = arith.constant 2 : i32
      %parallel_loop3A_248 = arith.index_cast %parallel_loop3A_247 : i32 to index
      %parallel_loop3A_249 = arith.index_cast %parallel_loop3A_246 : i32 to index
      %parallel_loop3A_250 = arith.constant 16 : index
      %parallel_loop3A_251 = tpu.vector_load %arg8[%parallel_loop3A_248, %parallel_loop3A_249, %parallel_loop3A_250] {strides = array<i32>} : memref<3x400x64xf32, #tpu.memory_space<vmem>>, vector<1x1x16xf32>,
      %parallel_loop3A_252 = vector.shape_cast %parallel_loop3A_251 : vector<1x1x16xf32> to vector<16xf32>
      %parallel_loop3A_253 = arith.addf %parallel_loop3A_252, %parallel_loop3A_244 : vector<16xf32>
      %parallel_loop3A_254 = arith.constant 0 : i32
      %parallel_loop3A_255 = arith.addi %parallel_loop3A_254, %parallel_loop3A_200 : i32
      %parallel_loop3A_256 = arith.constant 2 : i32
      %parallel_loop3A_257 = arith.index_cast %parallel_loop3A_256 : i32 to index
      %parallel_loop3A_258 = arith.index_cast %parallel_loop3A_255 : i32 to index
      %parallel_loop3A_259 = arith.constant 16 : index
      %parallel_loop3A_260 = tpu.vector_load %arg8[%parallel_loop3A_257, %parallel_loop3A_258, %parallel_loop3A_259] {strides = array<i32>} : memref<3x400x64xf32, #tpu.memory_space<vmem>>, vector<1x1x16xf32>,
      %parallel_loop3A_261 = vector.shape_cast %parallel_loop3A_260 : vector<1x1x16xf32> to vector<16xf32>
      %parallel_loop3A_262 = vector.shape_cast %parallel_loop3A_253 : vector<16xf32> to vector<1x1x16xf32>
      tpu.vector_store %arg8[%parallel_loop3A_257, %parallel_loop3A_258, %parallel_loop3A_259], %parallel_loop3A_262 {strides = array<i32>} : memref<3x400x64xf32, #tpu.memory_space<vmem>>, vector<1x1x16xf32>,
      %parallel_loop3A_263 = arith.constant 200 : i32
      %parallel_loop3A_264 = arith.addi %parallel_loop3A_263, %parallel_loop3A_200 : i32
      %parallel_loop3A_265 = arith.constant 2 : i32
      %parallel_loop3A_266 = arith.index_cast %parallel_loop3A_265 : i32 to index
      %parallel_loop3A_267 = arith.index_cast %parallel_loop3A_264 : i32 to index
      %parallel_loop3A_268 = arith.constant 16 : index
      %parallel_loop3A_269 = tpu.vector_load %arg8[%parallel_loop3A_266, %parallel_loop3A_267, %parallel_loop3A_268] {strides = array<i32>} : memref<3x400x64xf32, #tpu.memory_space<vmem>>, vector<1x1x16xf32>,
      %parallel_loop3A_270 = vector.shape_cast %parallel_loop3A_269 : vector<1x1x16xf32> to vector<16xf32>
      %parallel_loop3A_271 = arith.addf %parallel_loop3A_270, %parallel_loop3A_244 : vector<16xf32>
      %parallel_loop3A_272 = arith.constant 200 : i32
      %parallel_loop3A_273 = arith.addi %parallel_loop3A_272, %parallel_loop3A_200 : i32
      %parallel_loop3A_274 = arith.constant 2 : i32
      %parallel_loop3A_275 = arith.index_cast %parallel_loop3A_274 : i32 to index
      %parallel_loop3A_276 = arith.index_cast %parallel_loop3A_273 : i32 to index
      %parallel_loop3A_277 = arith.constant 16 : index
      %parallel_loop3A_278 = tpu.vector_load %arg8[%parallel_loop3A_275, %parallel_loop3A_276, %parallel_loop3A_277] {strides = array<i32>} : memref<3x400x64xf32, #tpu.memory_space<vmem>>, vector<1x1x16xf32>,
      %parallel_loop3A_279 = vector.shape_cast %parallel_loop3A_278 : vector<1x1x16xf32> to vector<16xf32>
      %parallel_loop3A_280 = vector.shape_cast %parallel_loop3A_271 : vector<16xf32> to vector<1x1x16xf32>
      tpu.vector_store %arg8[%parallel_loop3A_275, %parallel_loop3A_276, %parallel_loop3A_277], %parallel_loop3A_280 {strides = array<i32>} : memref<3x400x64xf32, #tpu.memory_space<vmem>>, vector<1x1x16xf32>,
      %parallel_loop3A_281 = arith.index_cast %parallel_loop3A_200 : i32 to index
      %parallel_loop3A_282 = arith.constant 32 : index
      %parallel_loop3A_283 = tpu.vector_load %arg7[%parallel_loop3A_281, %parallel_loop3A_282] {strides = array<i32>} : memref<200x64xf32, #tpu.memory_space<vmem>>, vector<1x16xf32>,
      %parallel_loop3A_284 = vector.shape_cast %parallel_loop3A_283 : vector<1x16xf32> to vector<16xf32>
      %parallel_loop3A_285 = arith.constant 0 : i32
      %parallel_loop3A_286 = arith.addi %parallel_loop3A_285, %parallel_loop3A_200 : i32
      %parallel_loop3A_287 = arith.constant 2 : i32
      %parallel_loop3A_288 = arith.index_cast %parallel_loop3A_287 : i32 to index
      %parallel_loop3A_289 = arith.index_cast %parallel_loop3A_286 : i32 to index
      %parallel_loop3A_290 = arith.constant 32 : index
      %parallel_loop3A_291 = tpu.vector_load %arg8[%parallel_loop3A_288, %parallel_loop3A_289, %parallel_loop3A_290] {strides = array<i32>} : memref<3x400x64xf32, #tpu.memory_space<vmem>>, vector<1x1x16xf32>,
      %parallel_loop3A_292 = vector.shape_cast %parallel_loop3A_291 : vector<1x1x16xf32> to vector<16xf32>
      %parallel_loop3A_293 = arith.addf %parallel_loop3A_292, %parallel_loop3A_284 : vector<16xf32>
      %parallel_loop3A_294 = arith.constant 0 : i32
      %parallel_loop3A_295 = arith.addi %parallel_loop3A_294, %parallel_loop3A_200 : i32
      %parallel_loop3A_296 = arith.constant 2 : i32
      %parallel_loop3A_297 = arith.index_cast %parallel_loop3A_296 : i32 to index
      %parallel_loop3A_298 = arith.index_cast %parallel_loop3A_295 : i32 to index
      %parallel_loop3A_299 = arith.constant 32 : index
      %parallel_loop3A_300 = tpu.vector_load %arg8[%parallel_loop3A_297, %parallel_loop3A_298, %parallel_loop3A_299] {strides = array<i32>} : memref<3x400x64xf32, #tpu.memory_space<vmem>>, vector<1x1x16xf32>,
      %parallel_loop3A_301 = vector.shape_cast %parallel_loop3A_300 : vector<1x1x16xf32> to vector<16xf32>
      %parallel_loop3A_302 = vector.shape_cast %parallel_loop3A_293 : vector<16xf32> to vector<1x1x16xf32>
      tpu.vector_store %arg8[%parallel_loop3A_297, %parallel_loop3A_298, %parallel_loop3A_299], %parallel_loop3A_302 {strides = array<i32>} : memref<3x400x64xf32, #tpu.memory_space<vmem>>, vector<1x1x16xf32>,
      %parallel_loop3A_303 = arith.constant 200 : i32
      %parallel_loop3A_304 = arith.addi %parallel_loop3A_303, %parallel_loop3A_200 : i32
      %parallel_loop3A_305 = arith.constant 2 : i32
      %parallel_loop3A_306 = arith.index_cast %parallel_loop3A_305 : i32 to index
      %parallel_loop3A_307 = arith.index_cast %parallel_loop3A_304 : i32 to index
      %parallel_loop3A_308 = arith.constant 32 : index
      %parallel_loop3A_309 = tpu.vector_load %arg8[%parallel_loop3A_306, %parallel_loop3A_307, %parallel_loop3A_308] {strides = array<i32>} : memref<3x400x64xf32, #tpu.memory_space<vmem>>, vector<1x1x16xf32>,
      %parallel_loop3A_310 = vector.shape_cast %parallel_loop3A_309 : vector<1x1x16xf32> to vector<16xf32>
      %parallel_loop3A_311 = arith.addf %parallel_loop3A_310, %parallel_loop3A_284 : vector<16xf32>
      %parallel_loop3A_312 = arith.constant 200 : i32
      %parallel_loop3A_313 = arith.addi %parallel_loop3A_312, %parallel_loop3A_200 : i32
      %parallel_loop3A_314 = arith.constant 2 : i32
      %parallel_loop3A_315 = arith.index_cast %parallel_loop3A_314 : i32 to index
      %parallel_loop3A_316 = arith.index_cast %parallel_loop3A_313 : i32 to index
      %parallel_loop3A_317 = arith.constant 32 : index
      %parallel_loop3A_318 = tpu.vector_load %arg8[%parallel_loop3A_315, %parallel_loop3A_316, %parallel_loop3A_317] {strides = array<i32>} : memref<3x400x64xf32, #tpu.memory_space<vmem>>, vector<1x1x16xf32>,
      %parallel_loop3A_319 = vector.shape_cast %parallel_loop3A_318 : vector<1x1x16xf32> to vector<16xf32>
      %parallel_loop3A_320 = vector.shape_cast %parallel_loop3A_311 : vector<16xf32> to vector<1x1x16xf32>
      tpu.vector_store %arg8[%parallel_loop3A_315, %parallel_loop3A_316, %parallel_loop3A_317], %parallel_loop3A_320 {strides = array<i32>} : memref<3x400x64xf32, #tpu.memory_space<vmem>>, vector<1x1x16xf32>,
      %parallel_loop3A_321 = arith.index_cast %parallel_loop3A_200 : i32 to index
      %parallel_loop3A_322 = arith.constant 48 : index
      %parallel_loop3A_323 = tpu.vector_load %arg7[%parallel_loop3A_321, %parallel_loop3A_322] {strides = array<i32>} : memref<200x64xf32, #tpu.memory_space<vmem>>, vector<1x16xf32>,
      %parallel_loop3A_324 = vector.shape_cast %parallel_loop3A_323 : vector<1x16xf32> to vector<16xf32>
      %parallel_loop3A_325 = arith.constant 0 : i32
      %parallel_loop3A_326 = arith.addi %parallel_loop3A_325, %parallel_loop3A_200 : i32
      %parallel_loop3A_327 = arith.constant 2 : i32
      %parallel_loop3A_328 = arith.index_cast %parallel_loop3A_327 : i32 to index
      %parallel_loop3A_329 = arith.index_cast %parallel_loop3A_326 : i32 to index
      %parallel_loop3A_330 = arith.constant 48 : index
      %parallel_loop3A_331 = tpu.vector_load %arg8[%parallel_loop3A_328, %parallel_loop3A_329, %parallel_loop3A_330] {strides = array<i32>} : memref<3x400x64xf32, #tpu.memory_space<vmem>>, vector<1x1x16xf32>,
      %parallel_loop3A_332 = vector.shape_cast %parallel_loop3A_331 : vector<1x1x16xf32> to vector<16xf32>
      %parallel_loop3A_333 = arith.addf %parallel_loop3A_332, %parallel_loop3A_324 : vector<16xf32>
      %parallel_loop3A_334 = arith.constant 0 : i32
      %parallel_loop3A_335 = arith.addi %parallel_loop3A_334, %parallel_loop3A_200 : i32
      %parallel_loop3A_336 = arith.constant 2 : i32
      %parallel_loop3A_337 = arith.index_cast %parallel_loop3A_336 : i32 to index
      %parallel_loop3A_338 = arith.index_cast %parallel_loop3A_335 : i32 to index
      %parallel_loop3A_339 = arith.constant 48 : index
      %parallel_loop3A_340 = tpu.vector_load %arg8[%parallel_loop3A_337, %parallel_loop3A_338, %parallel_loop3A_339] {strides = array<i32>} : memref<3x400x64xf32, #tpu.memory_space<vmem>>, vector<1x1x16xf32>,
      %parallel_loop3A_341 = vector.shape_cast %parallel_loop3A_340 : vector<1x1x16xf32> to vector<16xf32>
      %parallel_loop3A_342 = vector.shape_cast %parallel_loop3A_333 : vector<16xf32> to vector<1x1x16xf32>
      tpu.vector_store %arg8[%parallel_loop3A_337, %parallel_loop3A_338, %parallel_loop3A_339], %parallel_loop3A_342 {strides = array<i32>} : memref<3x400x64xf32, #tpu.memory_space<vmem>>, vector<1x1x16xf32>,
      %parallel_loop3A_343 = arith.constant 200 : i32
      %parallel_loop3A_344 = arith.addi %parallel_loop3A_343, %parallel_loop3A_200 : i32
      %parallel_loop3A_345 = arith.constant 2 : i32
      %parallel_loop3A_346 = arith.index_cast %parallel_loop3A_345 : i32 to index
      %parallel_loop3A_347 = arith.index_cast %parallel_loop3A_344 : i32 to index
      %parallel_loop3A_348 = arith.constant 48 : index
      %parallel_loop3A_349 = tpu.vector_load %arg8[%parallel_loop3A_346, %parallel_loop3A_347, %parallel_loop3A_348] {strides = array<i32>} : memref<3x400x64xf32, #tpu.memory_space<vmem>>, vector<1x1x16xf32>,
      %parallel_loop3A_350 = vector.shape_cast %parallel_loop3A_349 : vector<1x1x16xf32> to vector<16xf32>
      %parallel_loop3A_351 = arith.addf %parallel_loop3A_350, %parallel_loop3A_324 : vector<16xf32>
      %parallel_loop3A_352 = arith.constant 200 : i32
      %parallel_loop3A_353 = arith.addi %parallel_loop3A_352, %parallel_loop3A_200 : i32
      %parallel_loop3A_354 = arith.constant 2 : i32
      %parallel_loop3A_355 = arith.index_cast %parallel_loop3A_354 : i32 to index
      %parallel_loop3A_356 = arith.index_cast %parallel_loop3A_353 : i32 to index
      %parallel_loop3A_357 = arith.constant 48 : index
      %parallel_loop3A_358 = tpu.vector_load %arg8[%parallel_loop3A_355, %parallel_loop3A_356, %parallel_loop3A_357] {strides = array<i32>} : memref<3x400x64xf32, #tpu.memory_space<vmem>>, vector<1x1x16xf32>,
      %parallel_loop3A_359 = vector.shape_cast %parallel_loop3A_358 : vector<1x1x16xf32> to vector<16xf32>
      %parallel_loop3A_360 = vector.shape_cast %parallel_loop3A_351 : vector<16xf32> to vector<1x1x16xf32>
      tpu.vector_store %arg8[%parallel_loop3A_355, %parallel_loop3A_356, %parallel_loop3A_357], %parallel_loop3A_360 {strides = array<i32>} : memref<3x400x64xf32, #tpu.memory_space<vmem>>, vector<1x1x16xf32>,
    } {sc.loop_unroll_factor = 4 : i64, sc.parallel_access}
    %add3A_94 = arith.constant 24800 : i32
    %add3A_95 = arith.addi %mul3A_2, %add3A_94 : i32
    %dma_start3A_96 = arith.constant 2 : i32
    %dma_start3A_97 = arith.constant 2 : i32
    %dma_start3A_98 = arith.constant 0 : i32
    %dma_start3A_99 = arith.constant 0 : i32
    %dma_start3A_100 = tpu.memref_slice %arg8[%dma_start3A_96, %dma_start3A_98, %dma_start3A_99] : memref<3x400x64xf32, #tpu.memory_space<vmem>> -> memref<1x400x64xf32, #tpu.memory_space<vmem>>
    %dma_start3A_101 = tpu.memref_squeeze %dma_start3A_100 : memref<1x400x64xf32, #tpu.memory_space<vmem>> -> memref<400x64xf32, #tpu.memory_space<vmem>>
    %dma_start3A_102 = arith.constant 0 : i32
    %dma_start3A_103 = tpu.memref_slice %arg5[%add3A_95, %dma_start3A_102] : memref<819200x64xf32, #tpu.memory_space<hbm>> -> memref<400x64xf32, #tpu.memory_space<hbm>>
    %dma_start3A_104 = tpu.memref_slice %arg10[%dma_start3A_97] : memref<3x!tpu.dma_semaphore, #tpu.memory_space<semaphore_mem>> -> memref<1x!tpu.dma_semaphore, #tpu.memory_space<semaphore_mem>>
    %dma_start3A_105 = tpu.memref_squeeze %dma_start3A_104 : memref<1x!tpu.dma_semaphore, #tpu.memory_space<semaphore_mem>> -> memref<!tpu.dma_semaphore, #tpu.memory_space<semaphore_mem>>
    %dma_start3A_106 = arith.constant 0 : i32
    %dma_start3A_107 = tpu.memref_slice %arg5[%add3A_95, %dma_start3A_106] : memref<819200x64xf32, #tpu.memory_space<hbm>> -> memref<400x64xf32, #tpu.memory_space<hbm>>
    %dma_start3A_108 = arith.constant 0 : i32
    %dma_start3A_109 = arith.constant 0 : i32
    %dma_start3A_110 = tpu.memref_slice %arg8[%dma_start3A_96, %dma_start3A_108, %dma_start3A_109] : memref<3x400x64xf32, #tpu.memory_space<vmem>> -> memref<1x400x64xf32, #tpu.memory_space<vmem>>
    %dma_start3A_111 = tpu.memref_squeeze %dma_start3A_110 : memref<1x400x64xf32, #tpu.memory_space<vmem>> -> memref<400x64xf32, #tpu.memory_space<vmem>>
    tpu.enqueue_dma source(%dma_start3A_111 : memref<400x64xf32, #tpu.memory_space<vmem>>) target(%dma_start3A_107 : memref<400x64xf32, #tpu.memory_space<hbm>>) target_semaphore(%dma_start3A_105 : memref<!tpu.dma_semaphore, #tpu.memory_space<semaphore_mem>>)
    %add3A_112 = arith.constant 24400 : i32
    %add3A_113 = arith.addi %mul3A_2, %add3A_112 : i32
    %dma_wait3A_114 = arith.constant 1 : i32
    %dma_wait3A_115 = arith.constant 1 : i32
    %dma_wait3A_116 = arith.constant 0 : i32
    %dma_wait3A_117 = arith.constant 0 : i32
    %dma_wait3A_118 = tpu.memref_slice %arg8[%dma_wait3A_114, %dma_wait3A_116, %dma_wait3A_117] : memref<3x400x64xf32, #tpu.memory_space<vmem>> -> memref<1x400x64xf32, #tpu.memory_space<vmem>>
    %dma_wait3A_119 = tpu.memref_squeeze %dma_wait3A_118 : memref<1x400x64xf32, #tpu.memory_space<vmem>> -> memref<400x64xf32, #tpu.memory_space<vmem>>
    %dma_wait3A_120 = arith.constant 0 : i32
    %dma_wait3A_121 = tpu.memref_slice %arg5[%add3A_113, %dma_wait3A_120] : memref<819200x64xf32, #tpu.memory_space<hbm>> -> memref<400x64xf32, #tpu.memory_space<hbm>>
    %dma_wait3A_122 = tpu.memref_slice %arg10[%dma_wait3A_115] : memref<3x!tpu.dma_semaphore, #tpu.memory_space<semaphore_mem>> -> memref<1x!tpu.dma_semaphore, #tpu.memory_space<semaphore_mem>>
    %dma_wait3A_123 = tpu.memref_squeeze %dma_wait3A_122 : memref<1x!tpu.dma_semaphore, #tpu.memory_space<semaphore_mem>> -> memref<!tpu.dma_semaphore, #tpu.memory_space<semaphore_mem>>
    %dma_wait3A_124 = arith.constant 0 : i32
    %dma_wait3A_125 = tpu.memref_slice %arg5[%add3A_113, %dma_wait3A_124] : memref<819200x64xf32, #tpu.memory_space<hbm>> -> memref<400x64xf32, #tpu.memory_space<hbm>>
    %dma_wait3A_126 = arith.constant 0 : i32
    %dma_wait3A_127 = arith.constant 0 : i32
    %dma_wait3A_128 = tpu.memref_slice %arg8[%dma_wait3A_114, %dma_wait3A_126, %dma_wait3A_127] : memref<3x400x64xf32, #tpu.memory_space<vmem>> -> memref<1x400x64xf32, #tpu.memory_space<vmem>>
    %dma_wait3A_129 = tpu.memref_squeeze %dma_wait3A_128 : memref<1x400x64xf32, #tpu.memory_space<vmem>> -> memref<400x64xf32, #tpu.memory_space<vmem>>
    tpu.wait_dma2 semaphore(%dma_wait3A_123 : memref<!tpu.dma_semaphore, #tpu.memory_space<semaphore_mem>>) src(%dma_wait3A_129 : memref<400x64xf32, #tpu.memory_space<vmem>>) dst(%dma_wait3A_125 : memref<400x64xf32, #tpu.memory_space<hbm>>)
    %dma_wait3A_130 = arith.constant 0 : i32
    %dma_wait3A_131 = arith.constant 0 : i32
    %dma_wait3A_132 = arith.constant 0 : i32
    %dma_wait3A_133 = arith.constant 0 : i32
    %dma_wait3A_134 = tpu.memref_slice %arg8[%dma_wait3A_130, %dma_wait3A_132, %dma_wait3A_133] : memref<3x400x64xf32, #tpu.memory_space<vmem>> -> memref<1x400x64xf32, #tpu.memory_space<vmem>>
    %dma_wait3A_135 = tpu.memref_squeeze %dma_wait3A_134 : memref<1x400x64xf32, #tpu.memory_space<vmem>> -> memref<400x64xf32, #tpu.memory_space<vmem>>
    %dma_wait3A_136 = arith.constant 0 : i32
    %dma_wait3A_137 = tpu.memref_slice %arg6[%dma_wait3A_136] : memref<25600xi32, #tpu.memory_space<vmem>> -> memref<400xi32, #tpu.memory_space<vmem>>
    %dma_wait3A_138 = arith.constant 0 : i32
    %dma_wait3A_139 = arith.constant 0 : i32
    %dma_wait3A_140 = tpu.memref_slice %arg3[%dma_wait3A_138, %dma_wait3A_139] : memref<100000x64xf32, #tpu.memory_space<hbm>> -> memref<100000x64xf32, #tpu.memory_space<hbm>>
    %dma_wait3A_141 = tpu.memref_slice %arg9[%dma_wait3A_131] : memref<3x!tpu.dma_semaphore, #tpu.memory_space<semaphore_mem>> -> memref<1x!tpu.dma_semaphore, #tpu.memory_space<semaphore_mem>>
    %dma_wait3A_142 = tpu.memref_squeeze %dma_wait3A_141 : memref<1x!tpu.dma_semaphore, #tpu.memory_space<semaphore_mem>> -> memref<!tpu.dma_semaphore, #tpu.memory_space<semaphore_mem>>
    tpu.wait_indirect_dma semaphore(%dma_wait3A_142 : memref<!tpu.dma_semaphore, #tpu.memory_space<semaphore_mem>>) src(%dma_wait3A_140 : memref<100000x64xf32, #tpu.memory_space<hbm>>) dst(%dma_wait3A_135 : memref<400x64xf32, #tpu.memory_space<vmem>>)
    %parallel_loop3A_143 = arith.constant 0 : i32
    %parallel_loop3A_144 = arith.constant 200 : i32
    %parallel_loop3A_145 = arith.constant 1 : i32
    scf.for %parallel_loop3A_200 = %parallel_loop3A_143 to %parallel_loop3A_144 step %parallel_loop3A_145  : i32 {
      %parallel_loop3A_201 = arith.index_cast %parallel_loop3A_200 : i32 to index
      %parallel_loop3A_202 = arith.constant 0 : index
      %parallel_loop3A_203 = tpu.vector_load %arg7[%parallel_loop3A_201, %parallel_loop3A_202] {strides = array<i32>} : memref<200x64xf32, #tpu.memory_space<vmem>>, vector<1x16xf32>,
      %parallel_loop3A_204 = vector.shape_cast %parallel_loop3A_203 : vector<1x16xf32> to vector<16xf32>
      %parallel_loop3A_205 = arith.constant 0 : i32
      %parallel_loop3A_206 = arith.addi %parallel_loop3A_205, %parallel_loop3A_200 : i32
      %parallel_loop3A_207 = arith.constant 0 : i32
      %parallel_loop3A_208 = arith.index_cast %parallel_loop3A_207 : i32 to index
      %parallel_loop3A_209 = arith.index_cast %parallel_loop3A_206 : i32 to index
      %parallel_loop3A_210 = arith.constant 0 : index
      %parallel_loop3A_211 = tpu.vector_load %arg8[%parallel_loop3A_208, %parallel_loop3A_209, %parallel_loop3A_210] {strides = array<i32>} : memref<3x400x64xf32, #tpu.memory_space<vmem>>, vector<1x1x16xf32>,
      %parallel_loop3A_212 = vector.shape_cast %parallel_loop3A_211 : vector<1x1x16xf32> to vector<16xf32>
      %parallel_loop3A_213 = arith.addf %parallel_loop3A_212, %parallel_loop3A_204 : vector<16xf32>
      %parallel_loop3A_214 = arith.constant 0 : i32
      %parallel_loop3A_215 = arith.addi %parallel_loop3A_214, %parallel_loop3A_200 : i32
      %parallel_loop3A_216 = arith.constant 0 : i32
      %parallel_loop3A_217 = arith.index_cast %parallel_loop3A_216 : i32 to index
      %parallel_loop3A_218 = arith.index_cast %parallel_loop3A_215 : i32 to index
      %parallel_loop3A_219 = arith.constant 0 : index
      %parallel_loop3A_220 = tpu.vector_load %arg8[%parallel_loop3A_217, %parallel_loop3A_218, %parallel_loop3A_219] {strides = array<i32>} : memref<3x400x64xf32, #tpu.memory_space<vmem>>, vector<1x1x16xf32>,
      %parallel_loop3A_221 = vector.shape_cast %parallel_loop3A_220 : vector<1x1x16xf32> to vector<16xf32>
      %parallel_loop3A_222 = vector.shape_cast %parallel_loop3A_213 : vector<16xf32> to vector<1x1x16xf32>
      tpu.vector_store %arg8[%parallel_loop3A_217, %parallel_loop3A_218, %parallel_loop3A_219], %parallel_loop3A_222 {strides = array<i32>} : memref<3x400x64xf32, #tpu.memory_space<vmem>>, vector<1x1x16xf32>,
      %parallel_loop3A_223 = arith.constant 200 : i32
      %parallel_loop3A_224 = arith.addi %parallel_loop3A_223, %parallel_loop3A_200 : i32
      %parallel_loop3A_225 = arith.constant 0 : i32
      %parallel_loop3A_226 = arith.index_cast %parallel_loop3A_225 : i32 to index
      %parallel_loop3A_227 = arith.index_cast %parallel_loop3A_224 : i32 to index
      %parallel_loop3A_228 = arith.constant 0 : index
      %parallel_loop3A_229 = tpu.vector_load %arg8[%parallel_loop3A_226, %parallel_loop3A_227, %parallel_loop3A_228] {strides = array<i32>} : memref<3x400x64xf32, #tpu.memory_space<vmem>>, vector<1x1x16xf32>,
      %parallel_loop3A_230 = vector.shape_cast %parallel_loop3A_229 : vector<1x1x16xf32> to vector<16xf32>
      %parallel_loop3A_231 = arith.addf %parallel_loop3A_230, %parallel_loop3A_204 : vector<16xf32>
      %parallel_loop3A_232 = arith.constant 200 : i32
      %parallel_loop3A_233 = arith.addi %parallel_loop3A_232, %parallel_loop3A_200 : i32
      %parallel_loop3A_234 = arith.constant 0 : i32
      %parallel_loop3A_235 = arith.index_cast %parallel_loop3A_234 : i32 to index
      %parallel_loop3A_236 = arith.index_cast %parallel_loop3A_233 : i32 to index
      %parallel_loop3A_237 = arith.constant 0 : index
      %parallel_loop3A_238 = tpu.vector_load %arg8[%parallel_loop3A_235, %parallel_loop3A_236, %parallel_loop3A_237] {strides = array<i32>} : memref<3x400x64xf32, #tpu.memory_space<vmem>>, vector<1x1x16xf32>,
      %parallel_loop3A_239 = vector.shape_cast %parallel_loop3A_238 : vector<1x1x16xf32> to vector<16xf32>
      %parallel_loop3A_240 = vector.shape_cast %parallel_loop3A_231 : vector<16xf32> to vector<1x1x16xf32>
      tpu.vector_store %arg8[%parallel_loop3A_235, %parallel_loop3A_236, %parallel_loop3A_237], %parallel_loop3A_240 {strides = array<i32>} : memref<3x400x64xf32, #tpu.memory_space<vmem>>, vector<1x1x16xf32>,
      %parallel_loop3A_241 = arith.index_cast %parallel_loop3A_200 : i32 to index
      %parallel_loop3A_242 = arith.constant 16 : index
      %parallel_loop3A_243 = tpu.vector_load %arg7[%parallel_loop3A_241, %parallel_loop3A_242] {strides = array<i32>} : memref<200x64xf32, #tpu.memory_space<vmem>>, vector<1x16xf32>,
      %parallel_loop3A_244 = vector.shape_cast %parallel_loop3A_243 : vector<1x16xf32> to vector<16xf32>
      %parallel_loop3A_245 = arith.constant 0 : i32
      %parallel_loop3A_246 = arith.addi %parallel_loop3A_245, %parallel_loop3A_200 : i32
      %parallel_loop3A_247 = arith.constant 0 : i32
      %parallel_loop3A_248 = arith.index_cast %parallel_loop3A_247 : i32 to index
      %parallel_loop3A_249 = arith.index_cast %parallel_loop3A_246 : i32 to index
      %parallel_loop3A_250 = arith.constant 16 : index
      %parallel_loop3A_251 = tpu.vector_load %arg8[%parallel_loop3A_248, %parallel_loop3A_249, %parallel_loop3A_250] {strides = array<i32>} : memref<3x400x64xf32, #tpu.memory_space<vmem>>, vector<1x1x16xf32>,
      %parallel_loop3A_252 = vector.shape_cast %parallel_loop3A_251 : vector<1x1x16xf32> to vector<16xf32>
      %parallel_loop3A_253 = arith.addf %parallel_loop3A_252, %parallel_loop3A_244 : vector<16xf32>
      %parallel_loop3A_254 = arith.constant 0 : i32
      %parallel_loop3A_255 = arith.addi %parallel_loop3A_254, %parallel_loop3A_200 : i32
      %parallel_loop3A_256 = arith.constant 0 : i32
      %parallel_loop3A_257 = arith.index_cast %parallel_loop3A_256 : i32 to index
      %parallel_loop3A_258 = arith.index_cast %parallel_loop3A_255 : i32 to index
      %parallel_loop3A_259 = arith.constant 16 : index
      %parallel_loop3A_260 = tpu.vector_load %arg8[%parallel_loop3A_257, %parallel_loop3A_258, %parallel_loop3A_259] {strides = array<i32>} : memref<3x400x64xf32, #tpu.memory_space<vmem>>, vector<1x1x16xf32>,
      %parallel_loop3A_261 = vector.shape_cast %parallel_loop3A_260 : vector<1x1x16xf32> to vector<16xf32>
      %parallel_loop3A_262 = vector.shape_cast %parallel_loop3A_253 : vector<16xf32> to vector<1x1x16xf32>
      tpu.vector_store %arg8[%parallel_loop3A_257, %parallel_loop3A_258, %parallel_loop3A_259], %parallel_loop3A_262 {strides = array<i32>} : memref<3x400x64xf32, #tpu.memory_space<vmem>>, vector<1x1x16xf32>,
      %parallel_loop3A_263 = arith.constant 200 : i32
      %parallel_loop3A_264 = arith.addi %parallel_loop3A_263, %parallel_loop3A_200 : i32
      %parallel_loop3A_265 = arith.constant 0 : i32
      %parallel_loop3A_266 = arith.index_cast %parallel_loop3A_265 : i32 to index
      %parallel_loop3A_267 = arith.index_cast %parallel_loop3A_264 : i32 to index
      %parallel_loop3A_268 = arith.constant 16 : index
      %parallel_loop3A_269 = tpu.vector_load %arg8[%parallel_loop3A_266, %parallel_loop3A_267, %parallel_loop3A_268] {strides = array<i32>} : memref<3x400x64xf32, #tpu.memory_space<vmem>>, vector<1x1x16xf32>,
      %parallel_loop3A_270 = vector.shape_cast %parallel_loop3A_269 : vector<1x1x16xf32> to vector<16xf32>
      %parallel_loop3A_271 = arith.addf %parallel_loop3A_270, %parallel_loop3A_244 : vector<16xf32>
      %parallel_loop3A_272 = arith.constant 200 : i32
      %parallel_loop3A_273 = arith.addi %parallel_loop3A_272, %parallel_loop3A_200 : i32
      %parallel_loop3A_274 = arith.constant 0 : i32
      %parallel_loop3A_275 = arith.index_cast %parallel_loop3A_274 : i32 to index
      %parallel_loop3A_276 = arith.index_cast %parallel_loop3A_273 : i32 to index
      %parallel_loop3A_277 = arith.constant 16 : index
      %parallel_loop3A_278 = tpu.vector_load %arg8[%parallel_loop3A_275, %parallel_loop3A_276, %parallel_loop3A_277] {strides = array<i32>} : memref<3x400x64xf32, #tpu.memory_space<vmem>>, vector<1x1x16xf32>,
      %parallel_loop3A_279 = vector.shape_cast %parallel_loop3A_278 : vector<1x1x16xf32> to vector<16xf32>
      %parallel_loop3A_280 = vector.shape_cast %parallel_loop3A_271 : vector<16xf32> to vector<1x1x16xf32>
      tpu.vector_store %arg8[%parallel_loop3A_275, %parallel_loop3A_276, %parallel_loop3A_277], %parallel_loop3A_280 {strides = array<i32>} : memref<3x400x64xf32, #tpu.memory_space<vmem>>, vector<1x1x16xf32>,
      %parallel_loop3A_281 = arith.index_cast %parallel_loop3A_200 : i32 to index
      %parallel_loop3A_282 = arith.constant 32 : index
      %parallel_loop3A_283 = tpu.vector_load %arg7[%parallel_loop3A_281, %parallel_loop3A_282] {strides = array<i32>} : memref<200x64xf32, #tpu.memory_space<vmem>>, vector<1x16xf32>,
      %parallel_loop3A_284 = vector.shape_cast %parallel_loop3A_283 : vector<1x16xf32> to vector<16xf32>
      %parallel_loop3A_285 = arith.constant 0 : i32
      %parallel_loop3A_286 = arith.addi %parallel_loop3A_285, %parallel_loop3A_200 : i32
      %parallel_loop3A_287 = arith.constant 0 : i32
      %parallel_loop3A_288 = arith.index_cast %parallel_loop3A_287 : i32 to index
      %parallel_loop3A_289 = arith.index_cast %parallel_loop3A_286 : i32 to index
      %parallel_loop3A_290 = arith.constant 32 : index
      %parallel_loop3A_291 = tpu.vector_load %arg8[%parallel_loop3A_288, %parallel_loop3A_289, %parallel_loop3A_290] {strides = array<i32>} : memref<3x400x64xf32, #tpu.memory_space<vmem>>, vector<1x1x16xf32>,
      %parallel_loop3A_292 = vector.shape_cast %parallel_loop3A_291 : vector<1x1x16xf32> to vector<16xf32>
      %parallel_loop3A_293 = arith.addf %parallel_loop3A_292, %parallel_loop3A_284 : vector<16xf32>
      %parallel_loop3A_294 = arith.constant 0 : i32
      %parallel_loop3A_295 = arith.addi %parallel_loop3A_294, %parallel_loop3A_200 : i32
      %parallel_loop3A_296 = arith.constant 0 : i32
      %parallel_loop3A_297 = arith.index_cast %parallel_loop3A_296 : i32 to index
      %parallel_loop3A_298 = arith.index_cast %parallel_loop3A_295 : i32 to index
      %parallel_loop3A_299 = arith.constant 32 : index
      %parallel_loop3A_300 = tpu.vector_load %arg8[%parallel_loop3A_297, %parallel_loop3A_298, %parallel_loop3A_299] {strides = array<i32>} : memref<3x400x64xf32, #tpu.memory_space<vmem>>, vector<1x1x16xf32>,
      %parallel_loop3A_301 = vector.shape_cast %parallel_loop3A_300 : vector<1x1x16xf32> to vector<16xf32>
      %parallel_loop3A_302 = vector.shape_cast %parallel_loop3A_293 : vector<16xf32> to vector<1x1x16xf32>
      tpu.vector_store %arg8[%parallel_loop3A_297, %parallel_loop3A_298, %parallel_loop3A_299], %parallel_loop3A_302 {strides = array<i32>} : memref<3x400x64xf32, #tpu.memory_space<vmem>>, vector<1x1x16xf32>,
      %parallel_loop3A_303 = arith.constant 200 : i32
      %parallel_loop3A_304 = arith.addi %parallel_loop3A_303, %parallel_loop3A_200 : i32
      %parallel_loop3A_305 = arith.constant 0 : i32
      %parallel_loop3A_306 = arith.index_cast %parallel_loop3A_305 : i32 to index
      %parallel_loop3A_307 = arith.index_cast %parallel_loop3A_304 : i32 to index
      %parallel_loop3A_308 = arith.constant 32 : index
      %parallel_loop3A_309 = tpu.vector_load %arg8[%parallel_loop3A_306, %parallel_loop3A_307, %parallel_loop3A_308] {strides = array<i32>} : memref<3x400x64xf32, #tpu.memory_space<vmem>>, vector<1x1x16xf32>,
      %parallel_loop3A_310 = vector.shape_cast %parallel_loop3A_309 : vector<1x1x16xf32> to vector<16xf32>
      %parallel_loop3A_311 = arith.addf %parallel_loop3A_310, %parallel_loop3A_284 : vector<16xf32>
      %parallel_loop3A_312 = arith.constant 200 : i32
      %parallel_loop3A_313 = arith.addi %parallel_loop3A_312, %parallel_loop3A_200 : i32
      %parallel_loop3A_314 = arith.constant 0 : i32
      %parallel_loop3A_315 = arith.index_cast %parallel_loop3A_314 : i32 to index
      %parallel_loop3A_316 = arith.index_cast %parallel_loop3A_313 : i32 to index
      %parallel_loop3A_317 = arith.constant 32 : index
      %parallel_loop3A_318 = tpu.vector_load %arg8[%parallel_loop3A_315, %parallel_loop3A_316, %parallel_loop3A_317] {strides = array<i32>} : memref<3x400x64xf32, #tpu.memory_space<vmem>>, vector<1x1x16xf32>,
      %parallel_loop3A_319 = vector.shape_cast %parallel_loop3A_318 : vector<1x1x16xf32> to vector<16xf32>
      %parallel_loop3A_320 = vector.shape_cast %parallel_loop3A_311 : vector<16xf32> to vector<1x1x16xf32>
      tpu.vector_store %arg8[%parallel_loop3A_315, %parallel_loop3A_316, %parallel_loop3A_317], %parallel_loop3A_320 {strides = array<i32>} : memref<3x400x64xf32, #tpu.memory_space<vmem>>, vector<1x1x16xf32>,
      %parallel_loop3A_321 = arith.index_cast %parallel_loop3A_200 : i32 to index
      %parallel_loop3A_322 = arith.constant 48 : index
      %parallel_loop3A_323 = tpu.vector_load %arg7[%parallel_loop3A_321, %parallel_loop3A_322] {strides = array<i32>} : memref<200x64xf32, #tpu.memory_space<vmem>>, vector<1x16xf32>,
      %parallel_loop3A_324 = vector.shape_cast %parallel_loop3A_323 : vector<1x16xf32> to vector<16xf32>
      %parallel_loop3A_325 = arith.constant 0 : i32
      %parallel_loop3A_326 = arith.addi %parallel_loop3A_325, %parallel_loop3A_200 : i32
      %parallel_loop3A_327 = arith.constant 0 : i32
      %parallel_loop3A_328 = arith.index_cast %parallel_loop3A_327 : i32 to index
      %parallel_loop3A_329 = arith.index_cast %parallel_loop3A_326 : i32 to index
      %parallel_loop3A_330 = arith.constant 48 : index
      %parallel_loop3A_331 = tpu.vector_load %arg8[%parallel_loop3A_328, %parallel_loop3A_329, %parallel_loop3A_330] {strides = array<i32>} : memref<3x400x64xf32, #tpu.memory_space<vmem>>, vector<1x1x16xf32>,
      %parallel_loop3A_332 = vector.shape_cast %parallel_loop3A_331 : vector<1x1x16xf32> to vector<16xf32>
      %parallel_loop3A_333 = arith.addf %parallel_loop3A_332, %parallel_loop3A_324 : vector<16xf32>
      %parallel_loop3A_334 = arith.constant 0 : i32
      %parallel_loop3A_335 = arith.addi %parallel_loop3A_334, %parallel_loop3A_200 : i32
      %parallel_loop3A_336 = arith.constant 0 : i32
      %parallel_loop3A_337 = arith.index_cast %parallel_loop3A_336 : i32 to index
      %parallel_loop3A_338 = arith.index_cast %parallel_loop3A_335 : i32 to index
      %parallel_loop3A_339 = arith.constant 48 : index
      %parallel_loop3A_340 = tpu.vector_load %arg8[%parallel_loop3A_337, %parallel_loop3A_338, %parallel_loop3A_339] {strides = array<i32>} : memref<3x400x64xf32, #tpu.memory_space<vmem>>, vector<1x1x16xf32>,
      %parallel_loop3A_341 = vector.shape_cast %parallel_loop3A_340 : vector<1x1x16xf32> to vector<16xf32>
      %parallel_loop3A_342 = vector.shape_cast %parallel_loop3A_333 : vector<16xf32> to vector<1x1x16xf32>
      tpu.vector_store %arg8[%parallel_loop3A_337, %parallel_loop3A_338, %parallel_loop3A_339], %parallel_loop3A_342 {strides = array<i32>} : memref<3x400x64xf32, #tpu.memory_space<vmem>>, vector<1x1x16xf32>,
      %parallel_loop3A_343 = arith.constant 200 : i32
      %parallel_loop3A_344 = arith.addi %parallel_loop3A_343, %parallel_loop3A_200 : i32
      %parallel_loop3A_345 = arith.constant 0 : i32
      %parallel_loop3A_346 = arith.index_cast %parallel_loop3A_345 : i32 to index
      %parallel_loop3A_347 = arith.index_cast %parallel_loop3A_344 : i32 to index
      %parallel_loop3A_348 = arith.constant 48 : index
      %parallel_loop3A_349 = tpu.vector_load %arg8[%parallel_loop3A_346, %parallel_loop3A_347, %parallel_loop3A_348] {strides = array<i32>} : memref<3x400x64xf32, #tpu.memory_space<vmem>>, vector<1x1x16xf32>,
      %parallel_loop3A_350 = vector.shape_cast %parallel_loop3A_349 : vector<1x1x16xf32> to vector<16xf32>
      %parallel_loop3A_351 = arith.addf %parallel_loop3A_350, %parallel_loop3A_324 : vector<16xf32>
      %parallel_loop3A_352 = arith.constant 200 : i32
      %parallel_loop3A_353 = arith.addi %parallel_loop3A_352, %parallel_loop3A_200 : i32
      %parallel_loop3A_354 = arith.constant 0 : i32
      %parallel_loop3A_355 = arith.index_cast %parallel_loop3A_354 : i32 to index
      %parallel_loop3A_356 = arith.index_cast %parallel_loop3A_353 : i32 to index
      %parallel_loop3A_357 = arith.constant 48 : index
      %parallel_loop3A_358 = tpu.vector_load %arg8[%parallel_loop3A_355, %parallel_loop3A_356, %parallel_loop3A_357] {strides = array<i32>} : memref<3x400x64xf32, #tpu.memory_space<vmem>>, vector<1x1x16xf32>,
      %parallel_loop3A_359 = vector.shape_cast %parallel_loop3A_358 : vector<1x1x16xf32> to vector<16xf32>
      %parallel_loop3A_360 = vector.shape_cast %parallel_loop3A_351 : vector<16xf32> to vector<1x1x16xf32>
      tpu.vector_store %arg8[%parallel_loop3A_355, %parallel_loop3A_356, %parallel_loop3A_357], %parallel_loop3A_360 {strides = array<i32>} : memref<3x400x64xf32, #tpu.memory_space<vmem>>, vector<1x1x16xf32>,
    } {sc.loop_unroll_factor = 4 : i64, sc.parallel_access}
    %add3A_146 = arith.constant 25200 : i32
    %add3A_147 = arith.addi %mul3A_2, %add3A_146 : i32
    %dma_start3A_148 = arith.constant 0 : i32
    %dma_start3A_149 = arith.constant 0 : i32
    %dma_start3A_150 = arith.constant 0 : i32
    %dma_start3A_151 = arith.constant 0 : i32
    %dma_start3A_152 = tpu.memref_slice %arg8[%dma_start3A_148, %dma_start3A_150, %dma_start3A_151] : memref<3x400x64xf32, #tpu.memory_space<vmem>> -> memref<1x400x64xf32, #tpu.memory_space<vmem>>
    %dma_start3A_153 = tpu.memref_squeeze %dma_start3A_152 : memref<1x400x64xf32, #tpu.memory_space<vmem>> -> memref<400x64xf32, #tpu.memory_space<vmem>>
    %dma_start3A_154 = arith.constant 0 : i32
    %dma_start3A_155 = tpu.memref_slice %arg5[%add3A_147, %dma_start3A_154] : memref<819200x64xf32, #tpu.memory_space<hbm>> -> memref<400x64xf32, #tpu.memory_space<hbm>>
    %dma_start3A_156 = tpu.memref_slice %arg10[%dma_start3A_149] : memref<3x!tpu.dma_semaphore, #tpu.memory_space<semaphore_mem>> -> memref<1x!tpu.dma_semaphore, #tpu.memory_space<semaphore_mem>>
    %dma_start3A_157 = tpu.memref_squeeze %dma_start3A_156 : memref<1x!tpu.dma_semaphore, #tpu.memory_space<semaphore_mem>> -> memref<!tpu.dma_semaphore, #tpu.memory_space<semaphore_mem>>
    %dma_start3A_158 = arith.constant 0 : i32
    %dma_start3A_159 = tpu.memref_slice %arg5[%add3A_147, %dma_start3A_158] : memref<819200x64xf32, #tpu.memory_space<hbm>> -> memref<400x64xf32, #tpu.memory_space<hbm>>
    %dma_start3A_160 = arith.constant 0 : i32
    %dma_start3A_161 = arith.constant 0 : i32
    %dma_start3A_162 = tpu.memref_slice %arg8[%dma_start3A_148, %dma_start3A_160, %dma_start3A_161] : memref<3x400x64xf32, #tpu.memory_space<vmem>> -> memref<1x400x64xf32, #tpu.memory_space<vmem>>
    %dma_start3A_163 = tpu.memref_squeeze %dma_start3A_162 : memref<1x400x64xf32, #tpu.memory_space<vmem>> -> memref<400x64xf32, #tpu.memory_space<vmem>>
    tpu.enqueue_dma source(%dma_start3A_163 : memref<400x64xf32, #tpu.memory_space<vmem>>) target(%dma_start3A_159 : memref<400x64xf32, #tpu.memory_space<hbm>>) target_semaphore(%dma_start3A_157 : memref<!tpu.dma_semaphore, #tpu.memory_space<semaphore_mem>>)
    %add3A_164 = arith.constant 24800 : i32
    %add3A_165 = arith.addi %mul3A_2, %add3A_164 : i32
    %dma_wait3A_166 = arith.constant 2 : i32
    %dma_wait3A_167 = arith.constant 2 : i32
    %dma_wait3A_168 = arith.constant 0 : i32
    %dma_wait3A_169 = arith.constant 0 : i32
    %dma_wait3A_170 = tpu.memref_slice %arg8[%dma_wait3A_166, %dma_wait3A_168, %dma_wait3A_169] : memref<3x400x64xf32, #tpu.memory_space<vmem>> -> memref<1x400x64xf32, #tpu.memory_space<vmem>>
    %dma_wait3A_171 = tpu.memref_squeeze %dma_wait3A_170 : memref<1x400x64xf32, #tpu.memory_space<vmem>> -> memref<400x64xf32, #tpu.memory_space<vmem>>
    %dma_wait3A_172 = arith.constant 0 : i32
    %dma_wait3A_173 = tpu.memref_slice %arg5[%add3A_165, %dma_wait3A_172] : memref<819200x64xf32, #tpu.memory_space<hbm>> -> memref<400x64xf32, #tpu.memory_space<hbm>>
    %dma_wait3A_174 = tpu.memref_slice %arg10[%dma_wait3A_167] : memref<3x!tpu.dma_semaphore, #tpu.memory_space<semaphore_mem>> -> memref<1x!tpu.dma_semaphore, #tpu.memory_space<semaphore_mem>>
    %dma_wait3A_175 = tpu.memref_squeeze %dma_wait3A_174 : memref<1x!tpu.dma_semaphore, #tpu.memory_space<semaphore_mem>> -> memref<!tpu.dma_semaphore, #tpu.memory_space<semaphore_mem>>
    %dma_wait3A_176 = arith.constant 0 : i32
    %dma_wait3A_177 = tpu.memref_slice %arg5[%add3A_165, %dma_wait3A_176] : memref<819200x64xf32, #tpu.memory_space<hbm>> -> memref<400x64xf32, #tpu.memory_space<hbm>>
    %dma_wait3A_178 = arith.constant 0 : i32
    %dma_wait3A_179 = arith.constant 0 : i32
    %dma_wait3A_180 = tpu.memref_slice %arg8[%dma_wait3A_166, %dma_wait3A_178, %dma_wait3A_179] : memref<3x400x64xf32, #tpu.memory_space<vmem>> -> memref<1x400x64xf32, #tpu.memory_space<vmem>>
    %dma_wait3A_181 = tpu.memref_squeeze %dma_wait3A_180 : memref<1x400x64xf32, #tpu.memory_space<vmem>> -> memref<400x64xf32, #tpu.memory_space<vmem>>
    tpu.wait_dma2 semaphore(%dma_wait3A_175 : memref<!tpu.dma_semaphore, #tpu.memory_space<semaphore_mem>>) src(%dma_wait3A_181 : memref<400x64xf32, #tpu.memory_space<vmem>>) dst(%dma_wait3A_177 : memref<400x64xf32, #tpu.memory_space<hbm>>)
    %add3A_182 = arith.constant 25200 : i32
    %add3A_183 = arith.addi %mul3A_2, %add3A_182 : i32
    %dma_wait3A_184 = arith.constant 0 : i32
    %dma_wait3A_185 = arith.constant 0 : i32
    %dma_wait3A_186 = arith.constant 0 : i32
    %dma_wait3A_187 = arith.constant 0 : i32
    %dma_wait3A_188 = tpu.memref_slice %arg8[%dma_wait3A_184, %dma_wait3A_186, %dma_wait3A_187] : memref<3x400x64xf32, #tpu.memory_space<vmem>> -> memref<1x400x64xf32, #tpu.memory_space<vmem>>
    %dma_wait3A_189 = tpu.memref_squeeze %dma_wait3A_188 : memref<1x400x64xf32, #tpu.memory_space<vmem>> -> memref<400x64xf32, #tpu.memory_space<vmem>>
    %dma_wait3A_190 = arith.constant 0 : i32
    %dma_wait3A_191 = tpu.memref_slice %arg5[%add3A_183, %dma_wait3A_190] : memref<819200x64xf32, #tpu.memory_space<hbm>> -> memref<400x64xf32, #tpu.memory_space<hbm>>
    %dma_wait3A_192 = tpu.memref_slice %arg10[%dma_wait3A_185] : memref<3x!tpu.dma_semaphore, #tpu.memory_space<semaphore_mem>> -> memref<1x!tpu.dma_semaphore, #tpu.memory_space<semaphore_mem>>
    %dma_wait3A_193 = tpu.memref_squeeze %dma_wait3A_192 : memref<1x!tpu.dma_semaphore, #tpu.memory_space<semaphore_mem>> -> memref<!tpu.dma_semaphore, #tpu.memory_space<semaphore_mem>>
    %dma_wait3A_194 = arith.constant 0 : i32
    %dma_wait3A_195 = tpu.memref_slice %arg5[%add3A_183, %dma_wait3A_194] : memref<819200x64xf32, #tpu.memory_space<hbm>> -> memref<400x64xf32, #tpu.memory_space<hbm>>
    %dma_wait3A_196 = arith.constant 0 : i32
    %dma_wait3A_197 = arith.constant 0 : i32
    %dma_wait3A_198 = tpu.memref_slice %arg8[%dma_wait3A_184, %dma_wait3A_196, %dma_wait3A_197] : memref<3x400x64xf32, #tpu.memory_space<vmem>> -> memref<1x400x64xf32, #tpu.memory_space<vmem>>
    %dma_wait3A_199 = tpu.memref_squeeze %dma_wait3A_198 : memref<1x400x64xf32, #tpu.memory_space<vmem>> -> memref<400x64xf32, #tpu.memory_space<vmem>>
    tpu.wait_dma2 semaphore(%dma_wait3A_193 : memref<!tpu.dma_semaphore, #tpu.memory_space<semaphore_mem>>) src(%dma_wait3A_199 : memref<400x64xf32, #tpu.memory_space<vmem>>) dst(%dma_wait3A_195 : memref<400x64xf32, #tpu.memory_space<hbm>>)
    return
  }
}

</mosaic_0001>

<sc_bundles>
// kernel: kernel.3.cloned.1.call-start
scs
__scs_entry_jumppad:
0x0: {  	(pc) =	sbr.rel $0x88, $3  }
0x1: {  	(tag) =	ssettag $0x0;
	lr =	simm.s32 $0x1  }
0x2: {  	[smem:$0x3F9E] =	sst lr;
	_ =	strace $0xD0000000  }
0x3: {  	_ = 	snop  }
0x4: {  	_ = 	snop  }
0x5: {  	_ = 	snop  }
0x6: {  	_ = 	snop  }
0x7: {  	_ = 	snop  }
__scs_overlays_trampoline_lowered:
0x8: {  	[smem:$0x3FAD] =	sst s0  }
0x9: {  	[smem:$0x3FAE] =	sst s1  }
0xa: {  	[smem:$0x3FAF] =	sst s2  }
0xb: {  	[smem:$0x3FB0] =	sst s3  }
0xc: {  	[smem:$0x3FB1] =	sst s4  }
0xd: {  	[smem:$0x3FB2] =	sst s5  }
0xe: {  	[smem:$0x3FB3] =	sst s6  }
0xf: {  	[smem:$0x3FB4] =	sst s7  }
0x10: {  	[smem:$0x3FB5] =	sst s8  }
0x11: {  	[smem:$0x3FB6] =	sst s9;
	s0 =	simm.s32 @!p0 $0x0  }
0x12: {  	s1 =	sld [smem:$0x3F9C];
	s0 =	simm.s32 @p0 $0x1  }
0x13: {  	[smem:$0x3FB7] =	sst s0;
	s0 =	simm.s32 @!p1 $0x0  }
0x14: {  	s2 =	sld [smem:$0x3F9B];
	s0 =	simm.s32 @p1 $0x1  }
0x15: {  	[smem:$0x3FB8] =	sst s0;
	s0 =	simm.s32 @!p2 $0x0  }
0x16: {  	s3 =	sld [smem:$0x3FDB];
	s0 =	simm.s32 @p2 $0x1  }
0x17: {  	s4 =	simm.s32 $0x1BF5;
	[smem:$0x3FBA] =	sst s0  }
0x18: {  	s0 =	sld [smem:$0x3F9D];
	_ =	swait.ge [sflag:s4], $0x0  }
0x19: {  	s7 =	sld [smem:$0x3F9E]  }
0x1a: {  	s8 =	sadd.s32 $0xFFFFE003, lr  }
0x1b: {  	s9 =	sadd.s32 $0xFFFFFEF7, lr;
	s5 =	simm.s32 $0xFFFFFFFF;
	p2 =	slt.u32 s8, $0xFFFFF086  }
0x1c: {  	p1 =	slt.u32 s9, $0xF7A;
	s5 =	simm.s32 @!p2 $0x0  }
0x1d: {  	s5 =	simm.s32 @p1 $0x1;
	p0 =	seq.s32 s7, s2  }
0x1e: {  	s7 =	smul.u32 @!p0 $0xF7A, s2;
	p2 =	seq.s32 @!p0 s5, $0x0  }
0x1f: {  	s9 =	smul.u32 $0xF7A, s1;
	s8 =	simm.s32 @!p0 $0x1BF5;
	p2 =	por !p2, p0  }
0x20: {  	[sflag:s8] =	ssyncset.s32 @!p0 $0xFFFFF086;
	s6 =	sadd.s32 @!p0 s3, s7;
	s7 =	simm.s32 @!p0 $0x108  }
0x21: {  	s3 =	sadd.s32 s3, s9;
	s6 =	sadd.s32 @!p0 $0x88, s6;
	s7 =	simm.s32 @p2 $0x1082  }
0x22: {  	[simem:s7], [sflag:s8] =	dma.local @!p0 [hbm:s6], $0xF7A  }
0x23: {  	s9 =	sor.u32 $0xD0000000, s2;
	s6 =	simm.s32 $0x108;
	_ =	swait.ge @!p0 [sflag:s8], $0x0  }
0x24: {  	s3 =	sadd.s32 $0x88, s3;
	s6 =	simm.s32 @!p1 $0x1082;
	[sflag:s4] =	ssyncset.s32 $0xFFFFF086  }
0x25: {  	[simem:s6], [sflag:s4] =	dma.local [hbm:s3], $0xF7A  }
0x26: {  	[smem:$0x3F9E] =	sst s1;
	(tag) =	ssettag s2;
	_ =	strace s9  }
0x27: {  	s1 =	sld [smem:$0x3FAE]  }
0x28: {  	s2 =	sld [smem:$0x3FAF]  }
0x29: {  	s4 =	sld [smem:$0x3FB1]  }
0x2a: {  	p0 =	seq.s32 s5, $0x0;
	s5 =	sld [smem:$0x3FB2]  }
0x2b: {  	s6 =	sld [smem:$0x3FB3]  }
0x2c: {  	s7 =	sld [smem:$0x3FB4]  }
0x2d: {  	s3 =	simm.s32 $0x108;
	s8 =	sld [smem:$0x3FB5]  }
0x2e: {  	s3 =	simm.s32 @!p0 $0x1082;
	s9 =	sld [smem:$0x3FB6]  }
0x2f: {  	lr =	sadd.s32 s0, s3;
	s0 =	sld [smem:$0x3FAD]  }
0x30: {  	s3 =	sld [smem:$0x3FB0]  }
0x31: {  	[smem:$0x3FB9] =	sst s10  }
0x32: {  	s10 =	sld [smem:$0x3FB7];
	_ =	sdelay $0x3  }
0x33: {  	p0 =	seq.s32 s10, $0x1;
	s10 =	sld [smem:$0x3FB9];
	_ =	sdelay $0x3  }
0x34: {  	[smem:$0x3FB9] =	sst s10  }
0x35: {  	s10 =	sld [smem:$0x3FB8];
	_ =	sdelay $0x3  }
0x36: {  	p1 =	seq.s32 s10, $0x1;
	s10 =	sld [smem:$0x3FB9];
	_ =	sdelay $0x3  }
0x37: {  	[smem:$0x3FB9] =	sst s10  }
0x38: {  	s10 =	sld [smem:$0x3FBA]  }
0x39: {  	_ = 	snop;
	(pc) =	sbr.ind lr, $3  }
0x3a: {  	_ = 	snop  }
0x3b: {  	_ = 	snop  }
0x3c: {  	p2 =	seq.s32 s10, $0x1;
	s10 =	sld [smem:$0x3FB9]  }
0x3d: {  	_ =	shalt  }
0x3e: {  	_ =	shalt  }
0x3f: {  	_ =	shalt  }
0x40: {  	_ =	shalt  }
0x41: {  	_ =	shalt  }
0x42: {  	_ =	shalt  }
0x43: {  	_ =	shalt  }
0x44: {  	_ =	shalt  }
0x45: {  	_ =	shalt  }
0x46: {  	_ =	shalt  }
0x47: {  	_ =	shalt  }
0x48: {  	_ =	shalt  }
0x49: {  	_ =	shalt  }
0x4a: {  	_ =	shalt  }
0x4b: {  	_ =	shalt  }
0x4c: {  	_ =	shalt  }
0x4d: {  	_ =	shalt  }
0x4e: {  	_ =	shalt  }
0x4f: {  	_ =	shalt  }
0x50: {  	_ =	shalt  }
0x51: {  	_ =	shalt  }
0x52: {  	_ =	shalt  }
0x53: {  	_ =	shalt  }
0x54: {  	_ =	shalt  }
0x55: {  	_ =	shalt  }
0x56: {  	_ =	shalt  }
0x57: {  	_ =	shalt  }
0x58: {  	_ =	shalt  }
0x59: {  	_ =	shalt  }
0x5a: {  	_ =	shalt  }
0x5b: {  	_ =	shalt  }
0x5c: {  	_ =	shalt  }
0x5d: {  	_ =	shalt  }
0x5e: {  	_ =	shalt  }
0x5f: {  	_ =	shalt  }
0x60: {  	_ =	shalt  }
0x61: {  	_ =	shalt  }
0x62: {  	_ =	shalt  }
0x63: {  	_ =	shalt  }
0x64: {  	_ =	shalt  }
0x65: {  	_ =	shalt  }
0x66: {  	_ =	shalt  }
0x67: {  	_ =	shalt  }
0x68: {  	_ =	shalt  }
0x69: {  	_ =	shalt  }
0x6a: {  	_ =	shalt  }
0x6b: {  	_ =	shalt  }
0x6c: {  	_ =	shalt  }
0x6d: {  	_ =	shalt  }
0x6e: {  	_ =	shalt  }
0x6f: {  	_ =	shalt  }
0x70: {  	_ =	shalt  }
0x71: {  	_ =	shalt  }
0x72: {  	_ =	shalt  }
0x73: {  	_ =	shalt  }
0x74: {  	_ =	shalt  }
0x75: {  	_ =	shalt  }
0x76: {  	_ =	shalt  }
0x77: {  	_ =	shalt  }
0x78: {  	_ =	shalt  }
0x79: {  	_ =	shalt  }
0x7a: {  	_ =	shalt  }
0x7b: {  	_ =	shalt  }
0x7c: {  	_ =	shalt  }
0x7d: {  	_ =	shalt  }
0x7e: {  	_ =	shalt  }
0x7f: {  	_ =	shalt  }
0x80: {  	_ =	shalt  }
0x81: {  	_ =	shalt  }
0x82: {  	_ =	shalt  }
0x83: {  	_ =	shalt  }
0x84: {  	_ =	shalt  }
0x85: {  	_ =	shalt  }
0x86: {  	_ =	shalt  }
0x87: {  	_ =	shalt  }
.Lfunc_end0:
.L_simem_size_0:
called_computation.1_lowered:
.L_overlay_start_0:
0x88: {  	s2 =	sld [smem:$0x3FD9]  }
0x89: {  	s3 =	sld [smem:$0x3FFE];
	_ =	sdelay $0x1  }
0x8a: {  	s1 =	srdreg.scid  }
0x8b: {  	s0 =	sand.u32 $0x1, s1  }
0x8c: {  	s17 =	sshll.u32 s0, $0xA;
	s2 =	sadd.s32 s3, s2  }
0x8d: {  	s2 =	sadd.s32 s2, s17  }
0x8e: {  	[smem:$0x3FC5] =	sst s2  }
0x8f: {  	_ = 	snop  }
0x90: {  	s2 =	sld [smem:$0x3FD0];
	(tm) =	ssettm $0x1  }
0x91: {  	s18 =	sld [smem:$0x3FFB];
	_ =	sdelay $0x3  }
0x92: {  	_ =	strace s18  }
0x93: {  	s3 =	sld [smem:$0x3FFC];
	_ =	sdelay $0x3  }
0x94: {  	_ =	strace s3  }
0x95: {  	s3 =	sld [smem:$0x3FFD];
	_ =	sdelay $0x3  }
0x96: {  	_ =	strace s3  }
0x97: {  	_ =	strace $0x8FFFFFFF  }
0x98: {  	s19 =	sld [smem:$0x3FDB];
	_ =	sdelay $0x1  }
0x99: {  	s4 =	simm.s32 $_scs_section_size  }
0x9a: {  	s5 =	simm.s32 $_size__tile_overlayer_lowered;
	s6 =	simm.s32 $_tile_overlayer_lowered  }
0x9b: {  	s22 =	simm.s32 $0x1BFF;
	s21 =	sshll.u32 s6, $0x1;
	s3 =	sadd.s32 s4, s19  }
0x9c: {  	s7 =	simm.s32 $0x0;
	s20 =	sshll.u32 s5, $0x1;
	s5 =	sadd.s32 s21, s3  }
0x9d: {  	[timem:s7], [sflag:s22] =	dma.local [hbm:s5], s20  }
0x9e: {  	_ =	swait.ge [sflag:s22], s20  }
0x9f: {  	s4 =	ssub.s32 $0x0, s20;
	[sflag:s22] =	ssyncset.done $0x0  }
0xa0: {  	[sflag:s22] =	ssyncadd.s32 s4;
	_ =	sdelay $0x1  }
0xa1: {  	s23 =	simm.s32 $0x1B8B  }
0xa2: {  	_ =	swait.ge [sflag:s23], $0x1  }
0xa3: {  	[sflag:s23] =	ssyncset.done $0x0  }
0xa4: {  	s25 =	simm.s32 $0x1B8E;
	s24 =	sld [smem:$0x3FFE];
	[sflag:s23] =	ssyncadd.s32 $0xFFFFFFFF  }
0xa5: {  	s26 =	simm.s32 $execute0_lowered;
	[smem:$0x3FD2] =	sst s25  }
0xa6: {  	s5 =	sshll.u32 s26, $0x1;
	_ =	strace $0x80000046;
	[dreg:$0x1] =	wrdreg $0xFFFFFFFF  }
0xa7: {  	s28 =	simm.s32 $_size_execute0_lowered;
	s3 =	sadd.s32 s3, s5;
	[dreg:$0x0] =	wrdreg $0x0  }
0xa8: {  	s5 =	sshll.u32 s28, $0x1;
	[dreg:$0x2] =	wrdreg s3  }
0xa9: {  	[dreg:$0x3] =	wrdreg s5  }
0xaa: {  	[dreg:$0x4] =	wrdreg $0xC0  }
0xab: {  	_ =	task [dreg:s7], $0x5FFFF  }
0xac: {  	[dreg:$0x1] =	wrdreg $0xFFFFFFFF  }
0xad: {  	[dreg:$0x0] =	wrdreg $0x60  }
0xae: {  	[dreg:$0x2] =	wrdreg s24  }
0xaf: {  	[dreg:$0x3] =	wrdreg s2  }
0xb0: {  	[dreg:$0x4] =	wrdreg $0x9  }
0xb1: {  	_ =	task.clear_ibuf [dreg:s7], $0x5FFFF;
	_ =	strace $0x90000046  }
0xb2: {  	s29 =	simm.s32 $0x9;
	_ =	strace $0x80000048  }
0xb3: {  	_ =	swait.ge [sflag:s29], $0x1  }
0xb4: {  	[sflag:s29] =	ssyncadd.s32 $0xFFFFFFFF  }
0xb5: {  	_ =	strace $0x90000048  }
0xb6: {  	_ =	sfence  }
0xb7: {  	s30 =	sld [smem:$0x0];
	_ =	sdelay $0x2  }
0xb8: {  	s31 =	sshll.u32 s1, $0xD;
	s1 =	sshrl.u32 s1, $0x2  }
0xb9: {  	s3 =	sand.u32 $0x4000, s31;
	s1 =	sadd.s32 s1, s30  }
0xba: {  	s0 =	sor.u32 s3, s0;
	s1 =	sshll.u32 s1, $0x11  }
0xbb: {  	s0 =	sor.u32 s1, s0  }
0xbc: {  	s0 =	sadd.s32 $0x8F2B, s0  }
0xbd: {  	[sflag:s0] =	ssyncadd.remote.s32 $0x1  }
0xbe: {  	_ =	sfence.sel $0xFFFF  }
0xbf: {  	[dreg:$0x0] =	wrdreg $0xFFFFFFFF;
	(pc) =	sbr.abs _section_cstart, $3  }
0xc0: {  	[dreg:$0x1] =	wrdreg $0xFFFFFFFF  }
0xc1: {  	_ =	task.clear_ibuf [dreg:s7], $0x2FFFF;
	_ =	strace $0x9FFFFFFF  }
0xc2: {  	(tm) =	ssettm $0x7FFFFFFF  }
0xc3: {  	_ =	shalt  }
tec
execute0_lowered:
.L_overlay_start_1:
0x0: {  	(tag) =	ssettag $0x1  }
0x1: {  	s0 =	srdreg.scid  }
0x2: {  	s2 =	stileid.u32;
	s1 =	rddreg [dreg:$0x0]  }
0x3: {  	s12 =	simm.s32 $0x7;
	s14 =	simm.s32 $0x190;
	s15 =	simm.s32 $0x9600  }
0x4: {  	s16 =	simm.s32 $0xFA00;
	s17 =	simm.s32 $0x1;
	s18 =	simm.s32 $0x320  }
0x5: {  	s19 =	simm.s32 $0x15E00;
	s20 =	simm.s32 $0x3;
	s21 =	simm.s32 $0x5  }
0x6: {  	s22 =	simm.s32 $0x6;
	s0 =	sand.u32 $0x1, s0;
	s3 =	sshll.u32 s2, $0x1  }
0x7: {  	s23 =	simm.s32 $0x4;
	s24 =	simm.s32 $0x0;
	s6 =	sor.u32 s0, s3  }
0x8: {  	s2 =	rddreg [dreg:$0x1];
	s3 =	simm.s32 $0x0;
	s4 =	smul.u32 $0x6400, s6  }
0x9: {  	s0 =	ssub.s32 $0x2, s0;
	[smem:$0x7FF] =	sst s3;
	s7 =	smul.u32 $0x190000, s6  }
0xa: {  	s9 =	sshrl.u32 s0, $0x1;
	s10 =	smul.u32 $0x32000, s6;
	s6 =	sadd.s32 $0x800, s1  }
0xb: {  	_ =	strace $0x80000047;
	s0 =	ssub.s32 s0, s9;
	s5 =	sshrl.u32 s4, $0x3  }
0xc: {  	s7 =	sshrl.u32 s7, $0x3;
	s11 =	smax.u32 s0, $0x1;
	s8 =	sadd.s32 s5, s1  }
0xd: {  	s5 =	sadd.s32 $0x1A000, s1;
	s31 =	sadd.s32 s2, s7;
	s7 =	sadd.s32 $0x1000, s8  }
0xe: {  	s8 =	sadd.s32 s2, s10;
	s9 =	sadd.s32 $0x30700, s31;
	s10 =	sadd.s32 $0x31380, s31  }
.LBB2_1:
0xf: {  	[tilespmem:s3], [sflag:$0x7] =	stream.linear.gather [hbm4b:s7+s3], $0x6400, $0x38;
	[tilespmem:$0x1C200] =	vst v63  }
0x10: {  	_ =	swait.ge [sflag:s12], $0x6400  }
0x11: {  	[sflag:s12] =	ssyncset.done $0x0  }
0x12: {  	s0 =	simm.s32 $0x6400;
	[sflag:s12] =	ssyncadd.s32 $0xFFFF9C00  }
0x13: {  	[tilespmem:s0], [sflag:$0x7] =	stream.linear.gather [hbm4b:s6+s3], $0x3200, $0x38;
	[tilespmem:$0x1C200] =	vst v63  }
0x14: {  	_ =	swait.ge [sflag:s12], $0x3200  }
0x15: {  	[sflag:s12] =	ssyncset.done $0x0  }
0x16: {  	[sflag:s12] =	ssyncadd.s32 $0xFFFFCE00  }
0x17: {  	[tilespmem:s15], [sflag:$0x1] =	stream.indirect.gather [hbm4b:s5+s14], $0x40, s3, s14, $0xb8;
	[tilespmem:$0x1C200] =	vst v63  }
0x18: {  	_ = 	snop  }
0x19: {  	[tilespmem:s16], [sflag:$0x2] =	stream.indirect.gather [hbm4b:s5+s14], $0x40, s14, s14, $0xb8;
	[tilespmem:$0x1C200] =	vst v63  }
0x1a: {  	_ =	swait.ge [sflag:s17], $0x6400  }
0x1b: {  	[sflag:s17] =	ssyncset.done $0x0  }
0x1c: {  	s31 =	simm.s32 $0x6480;
	[sflag:s17] =	ssyncadd.s32 $0xFFFF9C00  }
0x1d: {  	s25 =	simm.s32 $0xC8F0;
	v0 =	vld [tilespmem:s31+$0x40]  }
0x1e: {  	v1 =	vld [tilespmem:s25+$0xFFFFCDD0]  }
0x1f: {  	v2 =	vld [tilespmem:s25+$0xFFFFFFD0]  }
0x20: {  	v3 =	vld [tilespmem:s25+$0xFFFFCD10]  }
0x21: {  	v4 =	vld [tilespmem:s25+$0xFFFFFF10]  }
0x22: {  	v5 =	vld [tilespmem:s31+$0xFFFFFFC0]  }
0x23: {  	v7 =	vld [tilespmem:s25+$0xFFFFFFE0]  }
0x24: {  	v8 =	vld [tilespmem:s31+$0x0];
	v1 =	vadd.f32 v1, v0  }
0x25: {  	v0 =	vadd.f32 v2, v0;
	v2 =	vld [tilespmem:s25+$0xFFFFCD50]  }
0x26: {  	[tilespmem:s25+$0xFFFFCDD0] =	vst v1;
	v1 =	vld [tilespmem:s25+$0xFFFFFF50]  }
0x27: {  	[tilespmem:s25+$0xFFFFFFD0] =	vst v0;
	v0 =	vld [tilespmem:s25+$0xFFFFCDE0]  }
0x28: {  	v6 =	vld [tilespmem:s31+$0x50]  }
0x29: {  	v9 =	vld [tilespmem:s25+$0xFFFFCD90]  }
0x2a: {  	v10 =	vld [tilespmem:s25+$0xFFFFCDA0];
	v2 =	vadd.f32 v2, v5  }
0x2b: {  	v1 =	vadd.f32 v1, v5;
	v5 =	vld [tilespmem:s31+$0xFFFFFF80]  }
0x2c: {  	[tilespmem:s25+$0xFFFFCD50] =	vst v2;
	v2 =	vld [tilespmem:s25+$0xFFFFFF90]  }
0x2d: {  	v0 =	vadd.f32 v0, v6;
	v6 =	vadd.f32 v7, v6;
	v7 =	vld [tilespmem:s25+$0xFFFFCD20];
	[tilespmem:s25+$0xFFFFFF50] =	vst v1  }
0x2e: {  	v1 =	vld [tilespmem:s31+$0xFFFFFFD0]  }
0x2f: {  	[tilespmem:s25+$0xFFFFCDE0] =	vst v0;
	v0 =	vld [tilespmem:s25+$0xFFFFFF20]  }
0x30: {  	[tilespmem:s25+$0xFFFFFFE0] =	vst v6;
	v6 =	vld [tilespmem:s25+$0xFFFFCDF0];
	v3 =	vadd.f32 v3, v5  }
0x31: {  	v4 =	vadd.f32 v4, v5;
	v5 =	vadd.f32 v9, v8;
	v9 =	vld [tilespmem:s31+$0x60]  }
0x32: {  	v2 =	vadd.f32 v2, v8;
	v8 =	vld [tilespmem:s25+$0xFFFFFF60];
	[tilespmem:s25+$0xFFFFCD10] =	vst v3  }
0x33: {  	v3 =	vld [tilespmem:s25+$0xFFFFFFF0];
	[tilespmem:s25+$0xFFFFFF10] =	vst v4  }
0x34: {  	[tilespmem:s25+$0xFFFFFF90] =	vst v2;
	v2 =	vld [tilespmem:s25+$0xFFFFCD60]  }
0x35: {  	[tilespmem:s25+$0xFFFFCD90] =	vst v5;
	v4 =	vld [tilespmem:s31+$0xFFFFFF90]  }
0x36: {  	v5 =	vld [tilespmem:s31+$0x10]  }
0x37: {  	v6 =	vadd.f32 v6, v9  }
0x38: {  	v11 =	vld [tilespmem:s25+$0x0];
	v3 =	vadd.f32 v3, v9  }
0x39: {  	v9 =	vld [tilespmem:s25+$0xFFFFFFA0];
	[tilespmem:s25+$0xFFFFCDF0] =	vst v6;
	v2 =	vadd.f32 v2, v1  }
0x3a: {  	v1 =	vadd.f32 v8, v1;
	v8 =	vld [tilespmem:s25+$0xFFFFCDB0];
	v6 =	vadd.f32 v7, v4;
	[tilespmem:s25+$0xFFFFFFF0] =	vst v3  }
0x3b: {  	v0 =	vadd.f32 v0, v4;
	v4 =	vadd.f32 v10, v5;
	v10 =	vld [tilespmem:s25+$0xFFFFCD40];
	[tilespmem:s25+$0xFFFFCD60] =	vst v2  }
0x3c: {  	v3 =	vld [tilespmem:s25+$0xFFFFCD30];
	[tilespmem:s25+$0xFFFFCD20] =	vst v6  }
0x3d: {  	v2 =	vld [tilespmem:s25+$0xFFFFFF30];
	[tilespmem:s25+$0xFFFFFF20] =	vst v0  }
0x3e: {  	[tilespmem:s25+$0xFFFFFF60] =	vst v1;
	v0 =	vadd.f32 v9, v5;
	v5 =	vld [tilespmem:s31+$0xFFFFFFA0]  }
0x3f: {  	v1 =	vld [tilespmem:s31+$0xFFFFFFE0]  }
0x40: {  	[tilespmem:s25+$0xFFFFCDA0] =	vst v4;
	v4 =	vld [tilespmem:s25+$0xFFFFFF70]  }
0x41: {  	v6 =	vld [tilespmem:s25+$0xFFFFCD70];
	[tilespmem:s25+$0xFFFFFFA0] =	vst v0  }
0x42: {  	v7 =	vld [tilespmem:s31+$0x20]  }
0x43: {  	v9 =	vld [tilespmem:s25+$0xFFFFFFB0];
	v3 =	vadd.f32 v3, v5  }
0x44: {  	v0 =	vld [tilespmem:s31+$0x70];
	v2 =	vadd.f32 v2, v5  }
0x45: {  	v4 =	vadd.f32 v4, v1;
	v5 =	vld [tilespmem:s25+$0xFFFFFF40];
	[tilespmem:s25+$0xFFFFCD30] =	vst v3  }
0x46: {  	v3 =	vadd.f32 v6, v1;
	[tilespmem:s25+$0xFFFFFF30] =	vst v2;
	v1 =	vld [tilespmem:s25+$0xFFFFCD80]  }
0x47: {  	[tilespmem:s25+$0xFFFFFF70] =	vst v4;
	v2 =	vadd.f32 v8, v7;
	v8 =	vld [tilespmem:s31+$0xFFFFFFB0]  }
0x48: {  	v4 =	vadd.f32 v9, v7;
	[tilespmem:s25+$0xFFFFCD70] =	vst v3;
	v3 =	vld [tilespmem:s25+$0xFFFFFF80]  }
0x49: {  	[tilespmem:s25+$0xFFFFCDB0] =	vst v2;
	v7 =	vld [tilespmem:s31+$0xFFFFFFF0]  }
0x4a: {  	v6 =	vadd.f32 v11, v0;
	[tilespmem:s25+$0xFFFFFFB0] =	vst v4;
	v4 =	vld [tilespmem:s25+$0xFFFFCDC0]  }
0x4b: {  	v2 =	vld [tilespmem:s31+$0x30]  }
0x4c: {  	[tilespmem:s25+$0x0] =	vst v6;
	v6 =	vld [tilespmem:s25+$0xFFFFFFC0];
	v9 =	vadd.f32 v10, v8  }
0x4d: {  	s1 =	simm.s32 $0x0;
	s26 =	simm.s32 $0xC8F0;
	s0 =	simm.s32 $0x6580;
	v8 =	vadd.f32 v5, v8;
	v5 =	vld [tilespmem:s25+$0xFFFFCE00]  }
.LBB2_2:
0x4e: {  	v10 =	vld [tilespmem:s0+$0x40];
	[tilespmem:s25+$0xFFFFCD40] =	vst v9;
	v1 =	vadd.f32 v1, v7;
	v3 =	vadd.f32 v3, v7;
	s26 =	sadd.s32 $0x100, s26  }
0x4f: {  	v7 =	vld [tilespmem:s26+$0xFFFFCDD0];
	[tilespmem:s25+$0xFFFFFF40] =	vst v8  }
0x50: {  	v8 =	vld [tilespmem:s26+$0xFFFFFFD0];
	[tilespmem:s25+$0xFFFFCD80] =	vst v1;
	v1 =	vadd.f32 v4, v2  }
0x51: {  	v4 =	vld [tilespmem:s26+$0xFFFFCD10];
	[tilespmem:s25+$0xFFFFFF80] =	vst v3;
	v2 =	vadd.f32 v6, v2  }
0x52: {  	s1 =	sadd.s32 $0x4, s1;
	v3 =	vld [tilespmem:s26+$0xFFFFFF10];
	[tilespmem:s25+$0xFFFFCDC0] =	vst v1;
	v0 =	vadd.f32 v5, v0  }
0x53: {  	p0 =	slt.u32 s1, $0xC4;
	v1 =	vld [tilespmem:s0+$0xFFFFFFC0];
	[tilespmem:s25+$0xFFFFFFC0] =	vst v2  }
0x54: {  	v2 =	vld [tilespmem:s26+$0xFFFFCD50];
	v5 =	vadd.f32 v7, v10;
	[tilespmem:s25+$0xFFFFCE00] =	vst v0;
	s25 =	smov.u32 s26  }
0x55: {  	v0 =	vld [tilespmem:s26+$0xFFFFFF50];
	v6 =	vadd.f32 v8, v10  }
0x56: {  	v7 =	vld [tilespmem:s0+$0x0];
	[tilespmem:s26+$0xFFFFCDD0] =	vst v5  }
0x57: {  	[tilespmem:s26+$0xFFFFFFD0] =	vst v6;
	v5 =	vld [tilespmem:s26+$0xFFFFCDE0]  }
0x58: {  	v6 =	vld [tilespmem:s0+$0x50]  }
0x59: {  	v2 =	vadd.f32 v2, v1;
	v8 =	vld [tilespmem:s26+$0xFFFFFFE0]  }
0x5a: {  	v0 =	vadd.f32 v0, v1;
	v1 =	vld [tilespmem:s26+$0xFFFFCD90]  }
0x5b: {  	[tilespmem:s26+$0xFFFFCD50] =	vst v2;
	v2 =	vld [tilespmem:s26+$0xFFFFFF90]  }
0x5c: {  	v9 =	vld [tilespmem:s0+$0xFFFFFF80];
	[tilespmem:s26+$0xFFFFFF50] =	vst v0  }
0x5d: {  	v10 =	vld [tilespmem:s0+$0xFFFFFFD0];
	v0 =	vadd.f32 v5, v6  }
0x5e: {  	v5 =	vld [tilespmem:s26+$0xFFFFCD20];
	v6 =	vadd.f32 v8, v6  }
0x5f: {  	v8 =	vld [tilespmem:s26+$0xFFFFFF20];
	v1 =	vadd.f32 v1, v7;
	[tilespmem:s26+$0xFFFFCDE0] =	vst v0  }
0x60: {  	v0 =	vadd.f32 v2, v7;
	[tilespmem:s26+$0xFFFFFFE0] =	vst v6;
	v2 =	vld [tilespmem:s26+$0xFFFFCDF0]  }
0x61: {  	v4 =	vadd.f32 v4, v9;
	v3 =	vadd.f32 v3, v9;
	[tilespmem:s26+$0xFFFFCD90] =	vst v1;
	v1 =	vld [tilespmem:s0+$0x60]  }
0x62: {  	[tilespmem:s26+$0xFFFFFF90] =	vst v0;
	v0 =	vld [tilespmem:s26+$0xFFFFFFF0]  }
0x63: {  	[tilespmem:s26+$0xFFFFCD10] =	vst v4;
	v4 =	vld [tilespmem:s0+$0x10]  }
0x64: {  	[tilespmem:s26+$0xFFFFFF10] =	vst v3;
	v3 =	vld [tilespmem:s26+$0xFFFFCD60]  }
0x65: {  	v6 =	vld [tilespmem:s0+$0xFFFFFF90]  }
0x66: {  	v7 =	vld [tilespmem:s26+$0xFFFFFF60];
	v2 =	vadd.f32 v2, v1  }
0x67: {  	v9 =	vld [tilespmem:s26+$0xFFFFCDA0];
	v0 =	vadd.f32 v0, v1  }
0x68: {  	v1 =	vld [tilespmem:s26+$0xFFFFFFA0];
	[tilespmem:s26+$0xFFFFCDF0] =	vst v2  }
0x69: {  	v2 =	vadd.f32 v3, v10;
	[tilespmem:s26+$0xFFFFFFF0] =	vst v0;
	v3 =	vld [tilespmem:s26+$0x0]  }
0x6a: {  	v5 =	vadd.f32 v5, v6;
	v6 =	vadd.f32 v8, v6;
	v0 =	vld [tilespmem:s0+$0x70]  }
0x6b: {  	v8 =	vld [tilespmem:s26+$0xFFFFCD30];
	[tilespmem:s26+$0xFFFFCD60] =	vst v2;
	v2 =	vadd.f32 v7, v10  }
0x6c: {  	[tilespmem:s26+$0xFFFFCD20] =	vst v5;
	v5 =	vld [tilespmem:s26+$0xFFFFFF30];
	v7 =	vadd.f32 v9, v4  }
0x6d: {  	[tilespmem:s26+$0xFFFFFF20] =	vst v6;
	v6 =	vld [tilespmem:s26+$0xFFFFCD70];
	v1 =	vadd.f32 v1, v4  }
0x6e: {  	v4 =	vld [tilespmem:s0+$0xFFFFFFA0];
	[tilespmem:s26+$0xFFFFFF60] =	vst v2  }
0x6f: {  	v2 =	vld [tilespmem:s0+$0xFFFFFFE0];
	[tilespmem:s26+$0xFFFFCDA0] =	vst v7;
	v3 =	vadd.f32 v3, v0  }
0x70: {  	v7 =	vld [tilespmem:s26+$0xFFFFFF70];
	[tilespmem:s26+$0xFFFFFFA0] =	vst v1  }
0x71: {  	v9 =	vld [tilespmem:s0+$0x20];
	[tilespmem:s26+$0x0] =	vst v3  }
0x72: {  	v3 =	vld [tilespmem:s26+$0xFFFFCDB0]  }
0x73: {  	v1 =	vadd.f32 v8, v4;
	v4 =	vadd.f32 v5, v4;
	v5 =	vld [tilespmem:s26+$0xFFFFFFB0]  }
0x74: {  	v8 =	vld [tilespmem:s26+$0xFFFFCD40];
	v6 =	vadd.f32 v6, v2  }
0x75: {  	[tilespmem:s26+$0xFFFFCD30] =	vst v1;
	v10 =	vld [tilespmem:s26+$0xFFFFFF40];
	v2 =	vadd.f32 v7, v2  }
0x76: {  	[tilespmem:s26+$0xFFFFFF30] =	vst v4;
	v1 =	vld [tilespmem:s26+$0xFFFFCD80]  }
0x77: {  	v11 =	vld [tilespmem:s0+$0xFFFFFFB0];
	[tilespmem:s26+$0xFFFFCD70] =	vst v6;
	v4 =	vadd.f32 v3, v9  }
0x78: {  	[tilespmem:s26+$0xFFFFFF70] =	vst v2;
	v3 =	vld [tilespmem:s26+$0xFFFFFF80];
	v2 =	vadd.f32 v5, v9  }
.Ltmp0:
0x79: {  	v7 =	vld [tilespmem:s0+$0xFFFFFFF0];
	[tilespmem:s26+$0xFFFFCDB0] =	vst v4;
	(pc) =	sbr.rel @p0 .LBB2_2-.Ltmp0, $4  }
0x7a: {  	[tilespmem:s26+$0xFFFFFFB0] =	vst v2;
	v4 =	vld [tilespmem:s26+$0xFFFFCDC0]  }
0x7b: {  	v2 =	vld [tilespmem:s0+$0x30]  }
0x7c: {  	v9 =	vadd.f32 v8, v11;
	v8 =	vadd.f32 v10, v11;
	v6 =	vld [tilespmem:s26+$0xFFFFFFC0]  }
0x7d: {  	s0 =	sadd.s32 $0x100, s0;
	v5 =	vld [tilespmem:s26+$0xFFFFCE00]  }
0x7e: {  	[tilespmem:s25+$0xFFFFCD40] =	vst v9;
	v1 =	vadd.f32 v1, v7  }
0x7f: {  	v3 =	vadd.f32 v3, v7;
	[tilespmem:s25+$0xFFFFFF40] =	vst v8  }
0x80: {  	[tilespmem:s25+$0xFFFFCD80] =	vst v1;
	v62 =	vadd.f32 v4, v2  }
0x81: {  	[tilespmem:s25+$0xFFFFFF80] =	vst v3;
	v63 =	vadd.f32 v6, v2  }
0x82: {  	[tilespmem:s25+$0xFFFFCDC0] =	vst v62;
	v0 =	vadd.f32 v5, v0  }
0x83: {  	[tilespmem:s25+$0xFFFFFFC0] =	vst v63  }
0x84: {  	[tilespmem:s25+$0xFFFFCE00] =	vst v0;
	s25 =	simm.s32 $0x9600  }
0x85: {  	[hbm4b:s8+s3] =	stream.linear.scatter [tilespmem:s25], [sflag:$0x4], $0x6400, $0x38;
	[tilespmem:$0x1C200] =	vst v63  }
0x86: {  	s26 =	simm.s32 $0x1  }
0x87: {  	[tilespmem:s19], [sflag:$0x3] =	stream.indirect.gather [hbm4b:s5+s14], $0x40, s18, s14, $0xb8;
	[tilespmem:$0x1C200] =	vst v63  }
.LBB2_4:
0x88: {  	s0 =	smulhi.u32 $0xAAAAAAAB, s26  }
0x89: {  	s1 =	smul.u32 $0xAB, s26;
	_ =	sdelay $0x1  }
0x8a: {  	s0 =	sshrl.u32 s0, $0x1;
	s1 =	sshrl.u32 s1, $0x9  }
0x8b: {  	s0 =	smul.u32 $0xFFFB5000, s0;
	s1 =	sand.u32 $0x7F, s1  }
0x8c: {  	s1 =	smul.u32 $0x3, s1  }
0x8d: {  	s0 =	sshra.s32 s0, $0x2  }
0x8e: {  	s0 =	sadd.s32 s0, s25;
	s1 =	ssub.s32 s26, s1  }
0x8f: {  	s28 =	sand.u32 $0xFF, s1;
	v0 =	vmov s0  }
0x90: {  	s1 =	sadd.s32 $0x1, s28  }
0x91: {  	_ =	swait.ge [sflag:s1], $0x6400  }
0x92: {  	[sflag:s1] =	ssyncset.done $0x0  }
0x93: {  	s29 =	simm.s32 $0x0;
	[sflag:s1] =	ssyncadd.s32 $0xFFFF9C00  }
0x94: {  	v1 =	vld.idx.msk [tilespmem:v0+s29+$0x64C0 ss:$0x1], $0xffff  }
0x95: {  	v2 =	vld [tilespmem:s29+$0x64C0];
	_ =	sdelay $0x3  }
0x96: {  	v3 =	vld.idx.msk [tilespmem:v0+s29+$0x6400 ss:$0x1], $0xffff  }
0x97: {  	v4 =	vld [tilespmem:s29+$0x6400];
	v1 =	vadd.f32 v1, v2  }
0x98: {  	v5 =	vld.idx.msk [tilespmem:v0+s29+$0x6440 ss:$0x1], $0xffff  }
0x99: {  	v6 =	vld [tilespmem:s29+$0x6440];
	[tilespmem:v0+s29+$0x64C0 ss:$0x1] =	vst.idx.msk $0xffff, v1  }
0x9a: {  	v1 =	vld.idx.msk [tilespmem:v0+s29+$0x96C0 ss:$0x1], $0xffff  }
0x9b: {  	v7 =	vld.idx.msk [tilespmem:v0+s29+$0x6480 ss:$0x1], $0xffff  }
0x9c: {  	v8 =	vld [tilespmem:s29+$0x6480];
	v3 =	vadd.f32 v3, v4;
	_ =	sdelay $0x1  }
0x9d: {  	[tilespmem:v0+s29+$0x6400 ss:$0x1] =	vst.idx.msk $0xffff, v3;
	v3 =	vadd.f32 v5, v6  }
0x9e: {  	v5 =	vld.idx.msk [tilespmem:v0+s29+$0x9600 ss:$0x1], $0xffff;
	v1 =	vadd.f32 v1, v2  }
0x9f: {  	[tilespmem:v0+s29+$0x6440 ss:$0x1] =	vst.idx.msk $0xffff, v3  }
0xa0: {  	v3 =	vld.idx.msk [tilespmem:v0+s29+$0x9640 ss:$0x1], $0xffff;
	v2 =	vadd.f32 v7, v8;
	[tilespmem:v0+s29+$0x96C0 ss:$0x1] =	vst.idx.msk $0xffff, v1  }
0xa1: {  	v1 =	vld.idx.msk [tilespmem:v0+s29+$0x64D0 ss:$0x1], $0xffff  }
0xa2: {  	[tilespmem:v0+s29+$0x6480 ss:$0x1] =	vst.idx.msk $0xffff, v2;
	v2 =	vld [tilespmem:s29+$0x64D0]  }
0xa3: {  	v4 =	vadd.f32 v5, v4;
	v5 =	vld.idx.msk [tilespmem:v0+s29+$0x9680 ss:$0x1], $0xffff;
	_ =	sdelay $0x1  }
0xa4: {  	v3 =	vadd.f32 v3, v6;
	_ =	sdelay $0x1  }
0xa5: {  	[tilespmem:v0+s29+$0x9640 ss:$0x1] =	vst.idx.msk $0xffff, v3;
	v1 =	vadd.f32 v1, v2  }
0xa6: {  	v3 =	vld.idx.msk [tilespmem:v0+s29+$0x6450 ss:$0x1], $0xffff;
	v5 =	vadd.f32 v5, v8  }
0xa7: {  	v7 =	vld [tilespmem:s29+$0x6450];
	[tilespmem:v0+s29+$0x64D0 ss:$0x1] =	vst.idx.msk $0xffff, v1  }
0xa8: {  	[tilespmem:v0+s29+$0x9680 ss:$0x1] =	vst.idx.msk $0xffff, v5;
	v1 =	vld.idx.msk [tilespmem:v0+s29+$0x96D0 ss:$0x1], $0xffff  }
0xa9: {  	v5 =	vld.idx.msk [tilespmem:v0+s29+$0x6490 ss:$0x1], $0xffff  }
0xaa: {  	[tilespmem:v0+s29+$0x9600 ss:$0x1] =	vst.idx.msk $0xffff, v4;
	v8 =	vld [tilespmem:s29+$0x6490]  }
0xab: {  	v4 =	vld.idx.msk [tilespmem:v0+s29+$0x6410 ss:$0x1], $0xffff  }
0xac: {  	v6 =	vld [tilespmem:s29+$0x6410];
	v3 =	vadd.f32 v3, v7  }
0xad: {  	v1 =	vadd.f32 v1, v2  }
0xae: {  	s30 =	simm.s32 $0x100;
	[tilespmem:v0+s29+$0x6450 ss:$0x1] =	vst.idx.msk $0xffff, v3  }
0xaf: {  	v9 =	vld [tilespmem:s30+$0x64C0];
	v3 =	vadd.f32 v5, v8;
	[tilespmem:v0+s29+$0x96D0 ss:$0x1] =	vst.idx.msk $0xffff, v1  }
0xb0: {  	v1 =	vld.idx.msk [tilespmem:v0+s29+$0x64E0 ss:$0x1], $0xffff  }
0xb1: {  	v4 =	vadd.f32 v4, v6;
	[tilespmem:v0+s29+$0x6490 ss:$0x1] =	vst.idx.msk $0xffff, v3;
	v3 =	vld [tilespmem:s29+$0x64E0]  }
0xb2: {  	v10 =	vld.idx.msk [tilespmem:v0+s30+$0x6400 ss:$0x1], $0xffff  }
0xb3: {  	v11 =	vld.idx.msk [tilespmem:v0+s30+$0x6440 ss:$0x1], $0xffff;
	[tilespmem:v0+s29+$0x6410 ss:$0x1] =	vst.idx.msk $0xffff, v4  }
0xb4: {  	v4 =	vld.idx.msk [tilespmem:v0+s29+$0x9610 ss:$0x1], $0xffff  }
0xb5: {  	v2 =	vld.idx.msk [tilespmem:v0+s29+$0x9650 ss:$0x1], $0xffff  }
0xb6: {  	v5 =	vld.idx.msk [tilespmem:v0+s29+$0x9690 ss:$0x1], $0xffff;
	v1 =	vadd.f32 v1, v3  }
0xb7: {  	v12 =	vld [tilespmem:s30+$0x6400]  }
0xb8: {  	v14 =	vld [tilespmem:s30+$0x6440];
	[tilespmem:v0+s29+$0x64E0 ss:$0x1] =	vst.idx.msk $0xffff, v1  }
0xb9: {  	v4 =	vadd.f32 v4, v6;
	v1 =	vld.idx.msk [tilespmem:v0+s29+$0x96E0 ss:$0x1], $0xffff  }
0xba: {  	v15 =	vld [tilespmem:s30+$0x6480]  }
0xbb: {  	[tilespmem:v0+s29+$0x9610 ss:$0x1] =	vst.idx.msk $0xffff, v4;
	v2 =	vadd.f32 v2, v7;
	v5 =	vadd.f32 v5, v8;
	v8 =	vld.idx.msk [tilespmem:v0+s30+$0x64C0 ss:$0x1], $0xffff  }
0xbc: {  	v4 =	vld.idx.msk [tilespmem:v0+s29+$0x6420 ss:$0x1], $0xffff  }
0xbd: {  	v6 =	vld [tilespmem:s29+$0x6420];
	[tilespmem:v0+s29+$0x9650 ss:$0x1] =	vst.idx.msk $0xffff, v2  }
0xbe: {  	v2 =	vld.idx.msk [tilespmem:v0+s29+$0x6460 ss:$0x1], $0xffff;
	v1 =	vadd.f32 v1, v3  }
0xbf: {  	v7 =	vld [tilespmem:s29+$0x6460];
	[tilespmem:v0+s29+$0x9690 ss:$0x1] =	vst.idx.msk $0xffff, v5  }
0xc0: {  	v5 =	vld.idx.msk [tilespmem:v0+s29+$0x64A0 ss:$0x1], $0xffff;
	[tilespmem:v0+s29+$0x96E0 ss:$0x1] =	vst.idx.msk $0xffff, v1;
	v1 =	vadd.f32 v8, v9  }
0xc1: {  	v8 =	vld.idx.msk [tilespmem:v0+s29+$0x64F0 ss:$0x1], $0xffff  }
0xc2: {  	v13 =	vld [tilespmem:s29+$0x64F0];
	[tilespmem:v0+s30+$0x64C0 ss:$0x1] =	vst.idx.msk $0xffff, v1  }
0xc3: {  	v1 =	vadd.f32 v4, v6;
	v4 =	vld.idx.msk [tilespmem:v0+s30+$0x96C0 ss:$0x1], $0xffff  }
0xc4: {  	v10 =	vadd.f32 v10, v12;
	v3 =	vld.idx.msk [tilespmem:v0+s30+$0x6480 ss:$0x1], $0xffff  }
0xc5: {  	[tilespmem:v0+s29+$0x6420 ss:$0x1] =	vst.idx.msk $0xffff, v1;
	v1 =	vadd.f32 v2, v7;
	v2 =	vld [tilespmem:s29+$0x64A0]  }
0xc6: {  	v11 =	vadd.f32 v11, v14;
	[tilespmem:v0+s30+$0x6400 ss:$0x1] =	vst.idx.msk $0xffff, v10;
	v10 =	vld.idx.msk [tilespmem:v0+s29+$0x9620 ss:$0x1], $0xffff  }
0xc7: {  	v8 =	vadd.f32 v8, v13;
	[tilespmem:v0+s29+$0x6460 ss:$0x1] =	vst.idx.msk $0xffff, v1;
	v1 =	vld.idx.msk [tilespmem:v0+s30+$0x9600 ss:$0x1], $0xffff  }
0xc8: {  	[tilespmem:v0+s30+$0x6440 ss:$0x1] =	vst.idx.msk $0xffff, v11;
	v16 =	vld.idx.msk [tilespmem:v0+s29+$0x9660 ss:$0x1], $0xffff;
	v4 =	vadd.f32 v4, v9  }
0xc9: {  	[tilespmem:v0+s29+$0x64F0 ss:$0x1] =	vst.idx.msk $0xffff, v8;
	v9 =	vld.idx.msk [tilespmem:v0+s30+$0x9640 ss:$0x1], $0xffff  }
0xca: {  	v3 =	vadd.f32 v3, v15;
	v8 =	vld.idx.msk [tilespmem:v0+s29+$0x96F0 ss:$0x1], $0xffff;
	[tilespmem:v0+s30+$0x96C0 ss:$0x1] =	vst.idx.msk $0xffff, v4  }
0xcb: {  	v4 =	vadd.f32 v5, v2;
	v5 =	vld.idx.msk [tilespmem:v0+s30+$0x64D0 ss:$0x1], $0xffff  }
0xcc: {  	[tilespmem:v0+s30+$0x6480 ss:$0x1] =	vst.idx.msk $0xffff, v3;
	v1 =	vadd.f32 v1, v12;
	v3 =	vld [tilespmem:s30+$0x64D0]  }
0xcd: {  	[tilespmem:v0+s29+$0x64A0 ss:$0x1] =	vst.idx.msk $0xffff, v4;
	v4 =	vld.idx.msk [tilespmem:v0+s30+$0x9680 ss:$0x1], $0xffff  }
0xce: {  	v6 =	vadd.f32 v10, v6;
	[tilespmem:v0+s30+$0x9600 ss:$0x1] =	vst.idx.msk $0xffff, v1;
	v1 =	vld.idx.msk [tilespmem:v0+s29+$0x96A0 ss:$0x1], $0xffff  }
0xcf: {  	v9 =	vadd.f32 v9, v14;
	v10 =	vld.idx.msk [tilespmem:v0+s30+$0x6410 ss:$0x1], $0xffff  }
0xd0: {  	[tilespmem:v0+s29+$0x9620 ss:$0x1] =	vst.idx.msk $0xffff, v6;
	v6 =	vld [tilespmem:s30+$0x6410]  }
0xd1: {  	[tilespmem:v0+s30+$0x9640 ss:$0x1] =	vst.idx.msk $0xffff, v9;
	v9 =	vld.idx.msk [tilespmem:v0+s29+$0x6430 ss:$0x1], $0xffff;
	v5 =	vadd.f32 v5, v3  }
0xd2: {  	v7 =	vadd.f32 v16, v7;
	v11 =	vld.idx.msk [tilespmem:v0+s30+$0x6450 ss:$0x1], $0xffff  }
0xd3: {  	v12 =	vld [tilespmem:s30+$0x6450];
	v4 =	vadd.f32 v4, v15;
	[tilespmem:v0+s30+$0x64D0 ss:$0x1] =	vst.idx.msk $0xffff, v5  }
0xd4: {  	[tilespmem:v0+s29+$0x9660 ss:$0x1] =	vst.idx.msk $0xffff, v7;
	v5 =	vld.idx.msk [tilespmem:v0+s30+$0x96D0 ss:$0x1], $0xffff  }
0xd5: {  	v1 =	vadd.f32 v1, v2;
	v7 =	vadd.f32 v10, v6;
	[tilespmem:v0+s30+$0x9680 ss:$0x1] =	vst.idx.msk $0xffff, v4;
	v10 =	vld.idx.msk [tilespmem:v0+s29+$0x6470 ss:$0x1], $0xffff  }
0xd6: {  	v2 =	vld.idx.msk [tilespmem:v0+s30+$0x6490 ss:$0x1], $0xffff  }
0xd7: {  	v14 =	vld [tilespmem:s30+$0x6490];
	[tilespmem:v0+s29+$0x96A0 ss:$0x1] =	vst.idx.msk $0xffff, v1  }
0xd8: {  	[tilespmem:v0+s30+$0x6410 ss:$0x1] =	vst.idx.msk $0xffff, v7;
	v4 =	vadd.f32 v11, v12;
	v15 =	vld.idx.msk [tilespmem:v0+s29+$0x64B0 ss:$0x1], $0xffff  }
0xd9: {  	v1 =	vld.idx.msk [tilespmem:v0+s30+$0x9610 ss:$0x1], $0xffff  }
0xda: {  	[tilespmem:v0+s30+$0x6450 ss:$0x1] =	vst.idx.msk $0xffff, v4;
	v4 =	vadd.f32 v5, v3;
	v3 =	vld [tilespmem:s29+$0x6430]  }
0xdb: {  	v5 =	vld.idx.msk [tilespmem:v0+s30+$0x9650 ss:$0x1], $0xffff  }
0xdc: {  	v7 =	vadd.f32 v2, v14;
	v2 =	vld [tilespmem:s29+$0x6470];
	[tilespmem:v0+s30+$0x96D0 ss:$0x1] =	vst.idx.msk $0xffff, v4  }
0xdd: {  	v11 =	vld.idx.msk [tilespmem:v0+s30+$0x64E0 ss:$0x1], $0xffff  }
0xde: {  	v1 =	vadd.f32 v1, v6;
	[tilespmem:v0+s30+$0x6490 ss:$0x1] =	vst.idx.msk $0xffff, v7;
	v6 =	vld [tilespmem:s30+$0x64E0]  }
0xdf: {  	v8 =	vadd.f32 v8, v13;
	v63 =	vld.idx.msk [tilespmem:v0+s30+$0x9690 ss:$0x1], $0xffff  }
0xe0: {  	v4 =	vadd.f32 v9, v3;
	[tilespmem:v0+s30+$0x9610 ss:$0x1] =	vst.idx.msk $0xffff, v1;
	v1 =	vld [tilespmem:s29+$0x64B0]  }
0xe1: {  	[tilespmem:v0+s29+$0x96F0 ss:$0x1] =	vst.idx.msk $0xffff, v8;
	v5 =	vadd.f32 v5, v12;
	v17 =	vld.idx.msk [tilespmem:v0+s30+$0x6420 ss:$0x1], $0xffff  }
0xe2: {  	[tilespmem:v0+s29+$0x6430 ss:$0x1] =	vst.idx.msk $0xffff, v4;
	v4 =	vld [tilespmem:s30+$0x6420]  }
0xe3: {  	v8 =	vadd.f32 v10, v2;
	[tilespmem:v0+s30+$0x9650 ss:$0x1] =	vst.idx.msk $0xffff, v5;
	v7 =	vld.idx.msk [tilespmem:v0+s29+$0x9630 ss:$0x1], $0xffff  }
0xe4: {  	s13 =	smul.u32 $0x19000, s28;
	v9 =	vadd.f32 v11, v6;
	v11 =	vld.idx.msk [tilespmem:v0+s30+$0x6460 ss:$0x1], $0xffff  }
0xe5: {  	v5 =	vld [tilespmem:s30+$0x6460];
	[tilespmem:v0+s29+$0x6470 ss:$0x1] =	vst.idx.msk $0xffff, v8;
	v13 =	vadd.f32 v63, v14  }
0xe6: {  	s0 =	sshrl.u32 s13, $0x2;
	v8 =	vld.idx.msk [tilespmem:v0+s29+$0x9670 ss:$0x1], $0xffff;
	[tilespmem:v0+s30+$0x64E0 ss:$0x1] =	vst.idx.msk $0xffff, v9;
	v9 =	vadd.f32 v15, v1  }
0xe7: {  	s31 =	sadd.s32 $0x9600, s0;
	s1 =	simm.s32 $0x4;
	s0 =	simm.s32 $0x800;
	v10 =	vld.idx.msk [tilespmem:v0+s30+$0x96E0 ss:$0x1], $0xffff;
	[tilespmem:v0+s30+$0x9690 ss:$0x1] =	vst.idx.msk $0xffff, v13;
	v12 =	vadd.f32 v17, v4  }
.LBB2_5:
0xe8: {  	s13 =	sshra.s32 s0, $0x2;
	s1 =	sadd.s32 $0x4, s1;
	v13 =	vld.idx.msk [tilespmem:v0+s30+$0x64A0 ss:$0x1], $0xffff;
	[tilespmem:v0+s29+$0x64B0 ss:$0x1] =	vst.idx.msk $0xffff, v9  }
0xe9: {  	v3 =	vadd.f32 v7, v3;
	v9 =	vld.idx.msk [tilespmem:v0+s13+$0x64C0 ss:$0x1], $0xffff;
	p0 =	slt.u32 s1, $0xC4;
	[tilespmem:v0+s30+$0x6420 ss:$0x1] =	vst.idx.msk $0xffff, v12  }
0xea: {  	v7 =	vld [tilespmem:s13+$0x64C0];
	v11 =	vadd.f32 v11, v5  }
0xeb: {  	v12 =	vld.idx.msk [tilespmem:v0+s13+$0x6400 ss:$0x1], $0xffff;
	[tilespmem:v0+s29+$0x9630 ss:$0x1] =	vst.idx.msk $0xffff, v3  }
0xec: {  	v6 =	vadd.f32 v10, v6;
	v3 =	vld.idx.msk [tilespmem:v0+s13+$0x6440 ss:$0x1], $0xffff;
	[tilespmem:v0+s30+$0x6460 ss:$0x1] =	vst.idx.msk $0xffff, v11  }
0xed: {  	v2 =	vadd.f32 v8, v2;
	v10 =	vld.idx.msk [tilespmem:v0+s13+$0x6480 ss:$0x1], $0xffff  }
0xee: {  	v8 =	vld [tilespmem:s13+$0x6400];
	[tilespmem:v0+s30+$0x96E0 ss:$0x1] =	vst.idx.msk $0xffff, v6  }
0xef: {  	v6 =	vadd.f32 v9, v7;
	v9 =	vld.idx.msk [tilespmem:v0+s30+$0x64F0 ss:$0x1], $0xffff;
	[tilespmem:v0+s29+$0x9670 ss:$0x1] =	vst.idx.msk $0xffff, v2  }
0xf0: {  	v2 =	vld [tilespmem:s30+$0x64F0]  }
0xf1: {  	v11 =	vld [tilespmem:s13+$0x6440];
	[tilespmem:v0+s13+$0x64C0 ss:$0x1] =	vst.idx.msk $0xffff, v6  }
0xf2: {  	v6 =	vld.idx.msk [tilespmem:v0+s13+$0x96C0 ss:$0x1], $0xffff  }
0xf3: {  	v12 =	vadd.f32 v12, v8;
	v14 =	vld [tilespmem:s13+$0x6480]  }
0xf4: {  	v15 =	vld [tilespmem:s30+$0x64A0]  }
0xf5: {  	[tilespmem:v0+s13+$0x6400 ss:$0x1] =	vst.idx.msk $0xffff, v12;
	v12 =	vld.idx.msk [tilespmem:v0+s30+$0x9620 ss:$0x1], $0xffff;
	v9 =	vadd.f32 v9, v2  }
0xf6: {  	v16 =	vld.idx.msk [tilespmem:v0+s13+$0x9600 ss:$0x1], $0xffff;
	v3 =	vadd.f32 v3, v11  }
0xf7: {  	v17 =	vld.idx.msk [tilespmem:v0+s30+$0x9660 ss:$0x1], $0xffff;
	[tilespmem:v0+s30+$0x64F0 ss:$0x1] =	vst.idx.msk $0xffff, v9  }
0xf8: {  	v6 =	vadd.f32 v6, v7;
	[tilespmem:v0+s13+$0x6440 ss:$0x1] =	vst.idx.msk $0xffff, v3;
	v3 =	vadd.f32 v10, v14;
	v7 =	vld.idx.msk [tilespmem:v0+s30+$0x96F0 ss:$0x1], $0xffff  }
0xf9: {  	v9 =	vld.idx.msk [tilespmem:v0+s13+$0x9640 ss:$0x1], $0xffff;
	v10 =	vadd.f32 v13, v15  }
0xfa: {  	[tilespmem:v0+s13+$0x96C0 ss:$0x1] =	vst.idx.msk $0xffff, v6;
	v6 =	vld.idx.msk [tilespmem:v0+s29+$0x96B0 ss:$0x1], $0xffff  }
0xfb: {  	v4 =	vadd.f32 v12, v4;
	[tilespmem:v0+s13+$0x6480 ss:$0x1] =	vst.idx.msk $0xffff, v3;
	v3 =	vld.idx.msk [tilespmem:v0+s13+$0x64D0 ss:$0x1], $0xffff  }
0xfc: {  	v8 =	vadd.f32 v16, v8;
	v12 =	vld [tilespmem:s13+$0x64D0];
	[tilespmem:v0+s30+$0x64A0 ss:$0x1] =	vst.idx.msk $0xffff, v10  }
0xfd: {  	v10 =	vld.idx.msk [tilespmem:v0+s13+$0x9680 ss:$0x1], $0xffff;
	[tilespmem:v0+s30+$0x9620 ss:$0x1] =	vst.idx.msk $0xffff, v4;
	v4 =	vadd.f32 v17, v5  }
0xfe: {  	v2 =	vadd.f32 v7, v2;
	[tilespmem:v0+s13+$0x9600 ss:$0x1] =	vst.idx.msk $0xffff, v8;
	v5 =	vld.idx.msk [tilespmem:v0+s30+$0x96A0 ss:$0x1], $0xffff  }
0xff: {  	v8 =	vadd.f32 v9, v11;
	v7 =	vld.idx.msk [tilespmem:v0+s13+$0x6410 ss:$0x1], $0xffff;
	[tilespmem:v0+s30+$0x9660 ss:$0x1] =	vst.idx.msk $0xffff, v4  }
0x100: {  	v1 =	vadd.f32 v6, v1;
	v4 =	vld [tilespmem:s13+$0x6410];
	[tilespmem:v0+s30+$0x96F0 ss:$0x1] =	vst.idx.msk $0xffff, v2  }
0x101: {  	[tilespmem:v0+s13+$0x9640 ss:$0x1] =	vst.idx.msk $0xffff, v8;
	v2 =	vadd.f32 v3, v12;
	v8 =	vld.idx.msk [tilespmem:v0+s30+$0x6430 ss:$0x1], $0xffff  }
0x102: {  	v3 =	vld.idx.msk [tilespmem:v0+s13+$0x6450 ss:$0x1], $0xffff;
	[tilespmem:v0+s29+$0x96B0 ss:$0x1] =	vst.idx.msk $0xffff, v1;
	s29 =	smov.u32 s30;
	s30 =	smov.u32 s13  }
0x103: {  	v1 =	vadd.f32 v10, v14;
	v9 =	vld [tilespmem:s30+$0x6450];
	[tilespmem:v0+s30+$0x64D0 ss:$0x1] =	vst.idx.msk $0xffff, v2  }
0x104: {  	v5 =	vadd.f32 v5, v15;
	v2 =	vld.idx.msk [tilespmem:v0+s30+$0x96D0 ss:$0x1], $0xffff  }
0x105: {  	v6 =	vadd.f32 v7, v4;
	[tilespmem:v0+s30+$0x9680 ss:$0x1] =	vst.idx.msk $0xffff, v1;
	v7 =	vld.idx.msk [tilespmem:v0+s29+$0x6470 ss:$0x1], $0xffff  }
0x106: {  	v1 =	vld.idx.msk [tilespmem:v0+s30+$0x6490 ss:$0x1], $0xffff;
	[tilespmem:v0+s29+$0x96A0 ss:$0x1] =	vst.idx.msk $0xffff, v5  }
0x107: {  	[tilespmem:v0+s30+$0x6410 ss:$0x1] =	vst.idx.msk $0xffff, v6;
	v10 =	vld [tilespmem:s30+$0x6490]  }
0x108: {  	v5 =	vld.idx.msk [tilespmem:v0+s30+$0x9610 ss:$0x1], $0xffff;
	v3 =	vadd.f32 v3, v9  }
0x109: {  	v13 =	vld.idx.msk [tilespmem:v0+s29+$0x64B0 ss:$0x1], $0xffff  }
0x10a: {  	v2 =	vadd.f32 v2, v12;
	[tilespmem:v0+s30+$0x6450 ss:$0x1] =	vst.idx.msk $0xffff, v3;
	v3 =	vld [tilespmem:s29+$0x6430]  }
0x10b: {  	v11 =	vld.idx.msk [tilespmem:v0+s30+$0x9650 ss:$0x1], $0xffff  }
0x10c: {  	v1 =	vadd.f32 v1, v10;
	[tilespmem:v0+s30+$0x96D0 ss:$0x1] =	vst.idx.msk $0xffff, v2;
	v2 =	vld [tilespmem:s29+$0x6470]  }
0x10d: {  	v12 =	vld.idx.msk [tilespmem:v0+s30+$0x64E0 ss:$0x1], $0xffff  }
0x10e: {  	v4 =	vadd.f32 v5, v4;
	[tilespmem:v0+s30+$0x6490 ss:$0x1] =	vst.idx.msk $0xffff, v1;
	v6 =	vld [tilespmem:s30+$0x64E0]  }
0x10f: {  	v14 =	vld.idx.msk [tilespmem:v0+s30+$0x9690 ss:$0x1], $0xffff;
	v5 =	vadd.f32 v8, v3  }
0x110: {  	[tilespmem:v0+s30+$0x9610 ss:$0x1] =	vst.idx.msk $0xffff, v4;
	v1 =	vld [tilespmem:s29+$0x64B0]  }
0x111: {  	v9 =	vadd.f32 v11, v9;
	v8 =	vld.idx.msk [tilespmem:v0+s30+$0x6420 ss:$0x1], $0xffff;
	[tilespmem:v0+s29+$0x6430 ss:$0x1] =	vst.idx.msk $0xffff, v5;
	v5 =	vadd.f32 v7, v2  }
0x112: {  	v4 =	vld [tilespmem:s30+$0x6420]  }
.Ltmp1:
0x113: {  	[tilespmem:v0+s30+$0x9650 ss:$0x1] =	vst.idx.msk $0xffff, v9;
	v9 =	vadd.f32 v12, v6;
	v7 =	vld.idx.msk [tilespmem:v0+s29+$0x9630 ss:$0x1], $0xffff;
	(pc) =	sbr.rel @p0 .LBB2_5-.Ltmp1, $4  }
0x114: {  	v11 =	vld.idx.msk [tilespmem:v0+s30+$0x6460 ss:$0x1], $0xffff;
	[tilespmem:v0+s29+$0x6470 ss:$0x1] =	vst.idx.msk $0xffff, v5  }
0x115: {  	v14 =	vadd.f32 v14, v10;
	v5 =	vld [tilespmem:s30+$0x6460];
	[tilespmem:v0+s30+$0x64E0 ss:$0x1] =	vst.idx.msk $0xffff, v9;
	v9 =	vadd.f32 v13, v1  }
0x116: {  	v10 =	vld.idx.msk [tilespmem:v0+s30+$0x96E0 ss:$0x1], $0xffff  }
0x117: {  	s0 =	sadd.s32 $0x400, s0;
	v12 =	vadd.f32 v8, v4;
	[tilespmem:v0+s30+$0x9690 ss:$0x1] =	vst.idx.msk $0xffff, v14;
	v8 =	vld.idx.msk [tilespmem:v0+s29+$0x9670 ss:$0x1], $0xffff  }
0x118: {  	_ =	sdelay $0x3  }
0x119: {  	v13 =	vld.idx.msk [tilespmem:v0+s30+$0x64A0 ss:$0x1], $0xffff  }
0x11a: {  	v14 =	vld [tilespmem:s30+$0x64A0];
	_ =	sdelay $0x2  }
0x11b: {  	[tilespmem:v0+s30+$0x6420 ss:$0x1] =	vst.idx.msk $0xffff, v12;
	v11 =	vadd.f32 v11, v5  }
0x11c: {  	v45 =	vld.idx.msk [tilespmem:v0+s30+$0x9620 ss:$0x1], $0xffff  }
0x11d: {  	[tilespmem:v0+s30+$0x6460 ss:$0x1] =	vst.idx.msk $0xffff, v11;
	v44 =	vadd.f32 v13, v14  }
0x11e: {  	v46 =	vld.idx.msk [tilespmem:v0+s30+$0x9660 ss:$0x1], $0xffff  }
0x11f: {  	v6 =	vadd.f32 v10, v6;
	[tilespmem:v0+s30+$0x64A0 ss:$0x1] =	vst.idx.msk $0xffff, v44  }
0x120: {  	v12 =	vld.idx.msk [tilespmem:v0+s30+$0x96A0 ss:$0x1], $0xffff  }
0x121: {  	[tilespmem:v0+s30+$0x96E0 ss:$0x1] =	vst.idx.msk $0xffff, v6;
	v4 =	vadd.f32 v45, v4  }
0x122: {  	v6 =	vld.idx.msk [tilespmem:v0+s30+$0x64F0 ss:$0x1], $0xffff  }
0x123: {  	v48 =	vld [tilespmem:s30+$0x64F0];
	[tilespmem:v0+s30+$0x9620 ss:$0x1] =	vst.idx.msk $0xffff, v4;
	v47 =	vadd.f32 v46, v5  }
0x124: {  	v50 =	vld.idx.msk [tilespmem:v0+s30+$0x6430 ss:$0x1], $0xffff  }
0x125: {  	v52 =	vld [tilespmem:s30+$0x6430];
	[tilespmem:v0+s30+$0x9660 ss:$0x1] =	vst.idx.msk $0xffff, v47;
	v49 =	vadd.f32 v12, v14  }
0x126: {  	v51 =	vld.idx.msk [tilespmem:v0+s30+$0x6470 ss:$0x1], $0xffff  }
0x127: {  	v53 =	vld [tilespmem:s30+$0x6470];
	[tilespmem:v0+s30+$0x96A0 ss:$0x1] =	vst.idx.msk $0xffff, v49  }
0x128: {  	v4 =	vld.idx.msk [tilespmem:v0+s30+$0x64B0 ss:$0x1], $0xffff  }
0x129: {  	v54 =	vld [tilespmem:s30+$0x64B0];
	_ =	sdelay $0x1  }
0x12a: {  	v6 =	vadd.f32 v6, v48  }
0x12b: {  	[tilespmem:v0+s29+$0x64B0 ss:$0x1] =	vst.idx.msk $0xffff, v9;
	v5 =	vadd.f32 v50, v52  }
0x12c: {  	v55 =	vld.idx.msk [tilespmem:v0+s29+$0x96B0 ss:$0x1], $0xffff;
	[tilespmem:v0+s30+$0x64F0 ss:$0x1] =	vst.idx.msk $0xffff, v6;
	v56 =	vadd.f32 v51, v53  }
0x12d: {  	v57 =	vld.idx.msk [tilespmem:v0+s30+$0x96F0 ss:$0x1], $0xffff;
	[tilespmem:v0+s30+$0x6430 ss:$0x1] =	vst.idx.msk $0xffff, v5;
	v4 =	vadd.f32 v4, v54  }
0x12e: {  	s0 =	sadd.s32 $0x2, s26;
	v58 =	vld.idx.msk [tilespmem:v0+s30+$0x9630 ss:$0x1], $0xffff;
	[tilespmem:v0+s30+$0x6470 ss:$0x1] =	vst.idx.msk $0xffff, v56  }
0x12f: {  	v3 =	vadd.f32 v7, v3;
	s1 =	smul.u32 $0xAB, s0;
	v59 =	vld.idx.msk [tilespmem:v0+s30+$0x9670 ss:$0x1], $0xffff;
	[tilespmem:v0+s30+$0x64B0 ss:$0x1] =	vst.idx.msk $0xffff, v4  }
0x130: {  	v2 =	vadd.f32 v8, v2;
	v4 =	vld.idx.msk [tilespmem:v0+s30+$0x96B0 ss:$0x1], $0xffff  }
0x131: {  	[tilespmem:v0+s29+$0x9630 ss:$0x1] =	vst.idx.msk $0xffff, v3;
	s1 =	sshrl.u32 s1, $0x9;
	v1 =	vadd.f32 v55, v1  }
0x132: {  	s13 =	smul.u32 $0x190, s26;
	s1 =	sand.u32 $0x7F, s1;
	[tilespmem:v0+s29+$0x9670 ss:$0x1] =	vst.idx.msk $0xffff, v2;
	v60 =	vadd.f32 v57, v48  }
0x133: {  	s1 =	smul.u32 $0x3, s1;
	[tilespmem:v0+s29+$0x96B0 ss:$0x1] =	vst.idx.msk $0xffff, v1;
	v61 =	vadd.f32 v58, v52  }
0x134: {  	s28 =	sadd.s32 $0x4, s28;
	s13 =	sadd.s32 s4, s13;
	[tilespmem:v0+s30+$0x96F0 ss:$0x1] =	vst.idx.msk $0xffff, v60;
	v62 =	vadd.f32 v59, v53  }
0x135: {  	s26 =	sadd.s32 $0x1, s26;
	s13 =	sshll.u32 s13, $0x3;
	s1 =	ssub.s32 s0, s1;
	[tilespmem:v0+s30+$0x9630 ss:$0x1] =	vst.idx.msk $0xffff, v61;
	v63 =	vadd.f32 v4, v54  }
0x136: {  	s13 =	sand.u32 $0x1FFFFF80, s13;
	s0 =	smul.u32 $0x640, s0;
	s1 =	sand.u32 $0xFF, s1;
	[tilespmem:v0+s30+$0x9670 ss:$0x1] =	vst.idx.msk $0xffff, v62  }
0x137: {  	p0 =	sne.s32 s26, $0x3E;
	s13 =	sadd.s32 s2, s13;
	[tilespmem:v0+s30+$0x96B0 ss:$0x1] =	vst.idx.msk $0xffff, v63;
	s30 =	smul.u32 $0x19000, s1  }
0x138: {  	[hbm4b:s13+s3] =	stream.linear.scatter [tilespmem:s31], [sflag:s28], $0x6400, $0x38;
	[tilespmem:$0x1C200] =	vst v63  }
.Ltmp2:
0x139: {  	s31 =	sor.u32 $0x4, s1;
	(pc) =	sbr.rel @p0 .LBB2_4-.Ltmp2, $4  }
0x13a: {  	s25 =	sadd.s32 $0x6400, s25;
	_ =	swait.ge [sflag:s31], $0x6400  }
0x13b: {  	s0 =	sshra.s32 s0, $0x2;
	s13 =	sshrl.u32 s30, $0x2;
	[sflag:s31] =	ssyncset.done $0x0  }
0x13c: {  	s1 =	sadd.s32 $0x1, s1;
	s13 =	sadd.s32 $0x9600, s13;
	[sflag:s31] =	ssyncadd.s32 $0xFFFF9C00  }
0x13d: {  	[tilespmem:s13], [sflag:s1] =	stream.indirect.gather [hbm4b:s5+s14], $0x40, s0, s14, $0xb8;
	[tilespmem:$0x1C200] =	vst v63  }
0x13e: {  	_ =	swait.ge [sflag:s20], $0x6400  }
0x13f: {  	[sflag:s20] =	ssyncset.done $0x0  }
0x140: {  	s25 =	simm.s32 $0x0;
	[sflag:s20] =	ssyncadd.s32 $0xFFFF9C00  }
0x141: {  	v1 =	vld [tilespmem:s25+$0x6400]  }
0x142: {  	v0 =	vld [tilespmem:s25+$0x15E00]  }
0x143: {  	v2 =	vld [tilespmem:s25+$0x19000]  }
0x144: {  	v3 =	vld [tilespmem:s25+$0x6410]  }
0x145: {  	v4 =	vld [tilespmem:s25+$0x15E10]  }
0x146: {  	v5 =	vld [tilespmem:s25+$0x19010]  }
0x147: {  	v7 =	vld [tilespmem:s25+$0x6420]  }
0x148: {  	v8 =	vld [tilespmem:s25+$0x15E20]  }
0x149: {  	v9 =	vld [tilespmem:s25+$0x6440]  }
0x14a: {  	v10 =	vld [tilespmem:s25+$0x15E40]  }
0x14b: {  	v11 =	vld [tilespmem:s25+$0x19040]  }
0x14c: {  	v12 =	vld [tilespmem:s25+$0x6450]  }
0x14d: {  	v13 =	vld [tilespmem:s25+$0x15E50]  }
0x14e: {  	v14 =	vld [tilespmem:s25+$0x19050]  }
0x14f: {  	v15 =	vld [tilespmem:s25+$0x6460]  }
0x150: {  	v16 =	vld [tilespmem:s25+$0x15E60]  }
0x151: {  	v17 =	vld [tilespmem:s25+$0x15E30]  }
0x152: {  	v55 =	vld [tilespmem:s25+$0x19030]  }
0x153: {  	v57 =	vld [tilespmem:s25+$0x6480]  }
0x154: {  	v19 =	vld [tilespmem:s25+$0x19080];
	v6 =	vadd.f32 v0, v1  }
0x155: {  	v0 =	vld [tilespmem:s25+$0x64F0];
	v1 =	vadd.f32 v2, v1  }
0x156: {  	v10 =	vadd.f32 v10, v9;
	[tilespmem:s25+$0x15E00] =	vst v6;
	v6 =	vld [tilespmem:s25+$0x190F0]  }
0x157: {  	v2 =	vld [tilespmem:s25+$0x19020];
	v4 =	vadd.f32 v4, v3;
	[tilespmem:s25+$0x19000] =	vst v1  }
0x158: {  	v56 =	vld [tilespmem:s25+$0x6470];
	v9 =	vadd.f32 v11, v9;
	[tilespmem:s25+$0x15E40] =	vst v10  }
0x159: {  	v18 =	vld [tilespmem:s25+$0x15E80];
	v3 =	vadd.f32 v5, v3;
	[tilespmem:s25+$0x15E10] =	vst v4  }
0x15a: {  	v58 =	vld [tilespmem:s25+$0x15EA0];
	v11 =	vadd.f32 v19, v57;
	[tilespmem:s25+$0x19040] =	vst v9  }
0x15b: {  	v1 =	vld [tilespmem:s25+$0x6430];
	[tilespmem:s25+$0x19010] =	vst v3;
	v6 =	vadd.f32 v6, v0  }
0x15c: {  	v59 =	vld [tilespmem:s25+$0x19070];
	[tilespmem:s25+$0x19080] =	vst v11;
	v2 =	vadd.f32 v2, v7  }
0x15d: {  	v5 =	vld [tilespmem:s25+$0x6490];
	[tilespmem:s25+$0x190F0] =	vst v6;
	v6 =	vadd.f32 v8, v7  }
0x15e: {  	[tilespmem:s25+$0x19020] =	vst v2;
	v2 =	vadd.f32 v13, v12;
	v8 =	vld [tilespmem:s25+$0x15E90]  }
0x15f: {  	v4 =	vld [tilespmem:s25+$0x19060];
	[tilespmem:s25+$0x15E20] =	vst v6;
	v6 =	vadd.f32 v18, v57  }
0x160: {  	v3 =	vld [tilespmem:s25+$0x19090];
	v17 =	vadd.f32 v17, v1;
	v1 =	vadd.f32 v55, v1;
	[tilespmem:s25+$0x15E50] =	vst v2  }
0x161: {  	[tilespmem:s25+$0x15E80] =	vst v6;
	v6 =	vld [tilespmem:s25+$0x15E70]  }
0x162: {  	v60 =	vld [tilespmem:s25+$0x64B0];
	[tilespmem:s25+$0x19030] =	vst v1;
	v1 =	vadd.f32 v14, v12  }
0x163: {  	v7 =	vld [tilespmem:s25+$0x64A0];
	[tilespmem:s25+$0x15E30] =	vst v17;
	v8 =	vadd.f32 v8, v5  }
0x164: {  	v2 =	vld [tilespmem:s25+$0x190A0];
	[tilespmem:s25+$0x19050] =	vst v1;
	v1 =	vadd.f32 v4, v15  }
0x165: {  	v61 =	vld [tilespmem:s25+$0x15EB0];
	[tilespmem:s25+$0x15E90] =	vst v8;
	v8 =	vadd.f32 v16, v15  }
0x166: {  	v3 =	vadd.f32 v3, v5;
	[tilespmem:s25+$0x19060] =	vst v1;
	v4 =	vadd.f32 v6, v56;
	v6 =	vld [tilespmem:s25+$0x64C0]  }
0x167: {  	v1 =	vadd.f32 v59, v56;
	[tilespmem:s25+$0x15E60] =	vst v8;
	v8 =	vld [tilespmem:s25+$0x15EC0]  }
0x168: {  	v62 =	vld [tilespmem:s25+$0x190B0];
	[tilespmem:s25+$0x19090] =	vst v3  }
0x169: {  	v63 =	vld [tilespmem:s25+$0x190C0];
	v2 =	vadd.f32 v2, v7;
	[tilespmem:s25+$0x19070] =	vst v1  }
0x16a: {  	v3 =	vld [tilespmem:s25+$0x15ED0];
	[tilespmem:s25+$0x15E70] =	vst v4;
	v4 =	vadd.f32 v58, v7  }
0x16b: {  	v5 =	vadd.f32 v61, v60;
	v1 =	vld [tilespmem:s25+$0x64D0];
	[tilespmem:s25+$0x190A0] =	vst v2  }
0x16c: {  	[tilespmem:s25+$0x15EA0] =	vst v4;
	v4 =	vld [tilespmem:s25+$0x190D0];
	v7 =	vadd.f32 v8, v6  }
0x16d: {  	v2 =	vld [tilespmem:s25+$0x64E0];
	[tilespmem:s25+$0x15EB0] =	vst v5;
	v8 =	vadd.f32 v62, v60  }
0x16e: {  	v5 =	vld [tilespmem:s25+$0x15EE0];
	[tilespmem:s25+$0x15EC0] =	vst v7;
	v7 =	vadd.f32 v63, v6  }
0x16f: {  	s1 =	simm.s32 $0x0;
	s0 =	simm.s32 $0x400;
	[tilespmem:s25+$0x190B0] =	vst v8;
	v6 =	vld [tilespmem:s25+$0x190E0]  }
.LBB2_8:
0x170: {  	s13 =	sshra.s32 s0, $0x2;
	[tilespmem:s25+$0x190C0] =	vst v7;
	v3 =	vadd.f32 v3, v1;
	v7 =	vld [tilespmem:s25+$0x15EF0]  }
0x171: {  	s1 =	sadd.s32 $0x4, s1;
	v8 =	vld [tilespmem:s13+$0x64F0];
	v1 =	vadd.f32 v4, v1  }
0x172: {  	p0 =	slt.u32 s1, $0xC4;
	v4 =	vld [tilespmem:s13+$0x190F0];
	[tilespmem:s25+$0x15ED0] =	vst v3  }
0x173: {  	v3 =	vld [tilespmem:s13+$0x6400];
	[tilespmem:s25+$0x190D0] =	vst v1;
	v1 =	vadd.f32 v5, v2  }
0x174: {  	v5 =	vld [tilespmem:s13+$0x15E00];
	v2 =	vadd.f32 v6, v2  }
0x175: {  	v6 =	vld [tilespmem:s13+$0x19000];
	[tilespmem:s25+$0x15EE0] =	vst v1;
	v1 =	vadd.f32 v7, v0  }
0x176: {  	v7 =	vld [tilespmem:s13+$0x6410];
	[tilespmem:s25+$0x190E0] =	vst v2;
	v0 =	vmov v8  }
0x177: {  	v2 =	vld [tilespmem:s13+$0x15E10];
	v4 =	vadd.f32 v4, v0;
	[tilespmem:s25+$0x15EF0] =	vst v1;
	s25 =	smov.u32 s13  }
0x178: {  	v1 =	vld [tilespmem:s25+$0x19010]  }
0x179: {  	v5 =	vadd.f32 v5, v3;
	v8 =	vld [tilespmem:s25+$0x6420];
	[tilespmem:s25+$0x190F0] =	vst v4  }
0x17a: {  	v3 =	vadd.f32 v6, v3;
	v4 =	vld [tilespmem:s25+$0x15E20]  }
0x17b: {  	[tilespmem:s25+$0x15E00] =	vst v5;
	v5 =	vld [tilespmem:s25+$0x19020]  }
0x17c: {  	[tilespmem:s25+$0x19000] =	vst v3;
	v2 =	vadd.f32 v2, v7;
	v3 =	vld [tilespmem:s25+$0x6430]  }
0x17d: {  	v1 =	vadd.f32 v1, v7;
	v6 =	vld [tilespmem:s25+$0x15E30]  }
0x17e: {  	[tilespmem:s25+$0x15E10] =	vst v2;
	v2 =	vld [tilespmem:s25+$0x19030]  }
0x17f: {  	[tilespmem:s25+$0x19010] =	vst v1;
	v1 =	vadd.f32 v4, v8;
	v4 =	vld [tilespmem:s25+$0x6440]  }
0x180: {  	v5 =	vadd.f32 v5, v8;
	v7 =	vld [tilespmem:s25+$0x15E40]  }
0x181: {  	[tilespmem:s25+$0x15E20] =	vst v1;
	v1 =	vld [tilespmem:s25+$0x19040]  }
0x182: {  	[tilespmem:s25+$0x19020] =	vst v5;
	v5 =	vadd.f32 v6, v3;
	v6 =	vld [tilespmem:s25+$0x6450]  }
0x183: {  	v2 =	vadd.f32 v2, v3;
	v3 =	vld [tilespmem:s25+$0x15E50]  }
0x184: {  	[tilespmem:s25+$0x15E30] =	vst v5;
	v5 =	vld [tilespmem:s25+$0x19050]  }
0x185: {  	[tilespmem:s25+$0x19030] =	vst v2;
	v2 =	vadd.f32 v7, v4;
	v7 =	vld [tilespmem:s25+$0x6460]  }
0x186: {  	v1 =	vadd.f32 v1, v4;
	v4 =	vld [tilespmem:s25+$0x15E60]  }
0x187: {  	[tilespmem:s25+$0x15E40] =	vst v2;
	v2 =	vld [tilespmem:s25+$0x19060]  }
0x188: {  	[tilespmem:s25+$0x19040] =	vst v1;
	v1 =	vadd.f32 v3, v6;
	v3 =	vld [tilespmem:s25+$0x6470]  }
0x189: {  	v5 =	vadd.f32 v5, v6;
	v6 =	vld [tilespmem:s25+$0x15E70]  }
0x18a: {  	[tilespmem:s25+$0x15E50] =	vst v1;
	v1 =	vld [tilespmem:s25+$0x19070]  }
0x18b: {  	[tilespmem:s25+$0x19050] =	vst v5;
	v4 =	vadd.f32 v4, v7;
	v5 =	vld [tilespmem:s25+$0x6480]  }
0x18c: {  	v2 =	vadd.f32 v2, v7;
	v7 =	vld [tilespmem:s25+$0x15E80]  }
0x18d: {  	[tilespmem:s25+$0x15E60] =	vst v4;
	v4 =	vld [tilespmem:s25+$0x19080]  }
0x18e: {  	[tilespmem:s25+$0x19060] =	vst v2;
	v2 =	vadd.f32 v6, v3;
	v6 =	vld [tilespmem:s25+$0x6490]  }
0x18f: {  	v1 =	vadd.f32 v1, v3;
	v3 =	vld [tilespmem:s25+$0x15E90]  }
0x190: {  	[tilespmem:s25+$0x15E70] =	vst v2;
	v2 =	vld [tilespmem:s25+$0x19090]  }
0x191: {  	[tilespmem:s25+$0x19070] =	vst v1;
	v1 =	vadd.f32 v7, v5;
	v7 =	vld [tilespmem:s25+$0x64A0]  }
0x192: {  	v4 =	vadd.f32 v4, v5;
	v5 =	vld [tilespmem:s25+$0x15EA0]  }
0x193: {  	[tilespmem:s25+$0x15E80] =	vst v1;
	v1 =	vld [tilespmem:s25+$0x190A0]  }
0x194: {  	[tilespmem:s25+$0x19080] =	vst v4;
	v3 =	vadd.f32 v3, v6;
	v4 =	vld [tilespmem:s25+$0x64B0]  }
0x195: {  	v2 =	vadd.f32 v2, v6;
	v6 =	vld [tilespmem:s25+$0x15EB0]  }
0x196: {  	[tilespmem:s25+$0x15E90] =	vst v3;
	v3 =	vld [tilespmem:s25+$0x190B0]  }
0x197: {  	[tilespmem:s25+$0x19090] =	vst v2;
	v2 =	vadd.f32 v5, v7;
	v5 =	vld [tilespmem:s25+$0x64C0]  }
0x198: {  	v1 =	vadd.f32 v1, v7;
	v7 =	vld [tilespmem:s25+$0x15EC0]  }
0x199: {  	[tilespmem:s25+$0x15EA0] =	vst v2;
	v8 =	vld [tilespmem:s25+$0x190C0]  }
0x19a: {  	[tilespmem:s25+$0x190A0] =	vst v1;
	v2 =	vadd.f32 v6, v4;
	v1 =	vld [tilespmem:s25+$0x64D0]  }
.Ltmp3:
0x19b: {  	v6 =	vadd.f32 v3, v4;
	v3 =	vld [tilespmem:s25+$0x15ED0];
	(pc) =	sbr.rel @p0 .LBB2_8-.Ltmp3, $4  }
0x19c: {  	[tilespmem:s25+$0x15EB0] =	vst v2;
	v4 =	vld [tilespmem:s25+$0x190D0]  }
0x19d: {  	[tilespmem:s25+$0x190B0] =	vst v6;
	v6 =	vadd.f32 v7, v5;
	v2 =	vld [tilespmem:s25+$0x64E0]  }
0x19e: {  	v7 =	vadd.f32 v8, v5;
	v5 =	vld [tilespmem:s25+$0x15EE0]  }
0x19f: {  	s0 =	sadd.s32 $0x400, s0;
	[tilespmem:s25+$0x15EC0] =	vst v6;
	v6 =	vld [tilespmem:s25+$0x190E0]  }
0x1a0: {  	[tilespmem:s25+$0x190C0] =	vst v7;
	v7 =	vld [tilespmem:s25+$0x15EF0]  }
0x1a1: {  	v3 =	vadd.f32 v3, v1  }
0x1a2: {  	v1 =	vadd.f32 v4, v1  }
0x1a3: {  	[tilespmem:s25+$0x15ED0] =	vst v3;
	v3 =	vadd.f32 v5, v2  }
0x1a4: {  	[tilespmem:s25+$0x190D0] =	vst v1;
	v1 =	vadd.f32 v6, v2  }
0x1a5: {  	[tilespmem:s25+$0x15EE0] =	vst v3;
	v0 =	vadd.f32 v7, v0  }
0x1a6: {  	[tilespmem:s25+$0x190E0] =	vst v1  }
0x1a7: {  	[tilespmem:s25+$0x15EF0] =	vst v0  }
0x1a8: {  	[hbm4b:s9+s3] =	stream.linear.scatter [tilespmem:s19], [sflag:$0x6], $0x6400, $0x38;
	[tilespmem:$0x1C200] =	vst v63  }
0x1a9: {  	_ =	swait.ge [sflag:s21], $0x6400  }
0x1aa: {  	[sflag:s21] =	ssyncset.done $0x0  }
0x1ab: {  	[sflag:s21] =	ssyncadd.s32 $0xFFFF9C00  }
0x1ac: {  	_ =	swait.ge [sflag:s17], $0x6400  }
0x1ad: {  	[sflag:s17] =	ssyncset.done $0x0  }
0x1ae: {  	s0 =	simm.s32 $0x6480;
	[sflag:s17] =	ssyncadd.s32 $0xFFFF9C00  }
0x1af: {  	s25 =	simm.s32 $0xC8F0;
	v0 =	vld [tilespmem:s0+$0x40]  }
0x1b0: {  	v1 =	vld [tilespmem:s25+$0xFFFFCDD0]  }
0x1b1: {  	v2 =	vld [tilespmem:s25+$0xFFFFFFD0]  }
0x1b2: {  	v3 =	vld [tilespmem:s25+$0xFFFFCD10]  }
0x1b3: {  	v4 =	vld [tilespmem:s25+$0xFFFFFF10]  }
0x1b4: {  	v5 =	vld [tilespmem:s0+$0xFFFFFFC0]  }
0x1b5: {  	v7 =	vld [tilespmem:s25+$0xFFFFFFE0]  }
0x1b6: {  	v8 =	vld [tilespmem:s0+$0x0];
	v1 =	vadd.f32 v1, v0  }
0x1b7: {  	v0 =	vadd.f32 v2, v0;
	v2 =	vld [tilespmem:s25+$0xFFFFCD50]  }
0x1b8: {  	[tilespmem:s25+$0xFFFFCDD0] =	vst v1;
	v1 =	vld [tilespmem:s25+$0xFFFFFF50]  }
0x1b9: {  	[tilespmem:s25+$0xFFFFFFD0] =	vst v0;
	v0 =	vld [tilespmem:s25+$0xFFFFCDE0]  }
0x1ba: {  	v6 =	vld [tilespmem:s0+$0x50]  }
0x1bb: {  	v9 =	vld [tilespmem:s25+$0xFFFFCD90]  }
0x1bc: {  	v10 =	vld [tilespmem:s25+$0xFFFFCDA0];
	v2 =	vadd.f32 v2, v5  }
0x1bd: {  	v1 =	vadd.f32 v1, v5;
	v5 =	vld [tilespmem:s0+$0xFFFFFF80]  }
0x1be: {  	[tilespmem:s25+$0xFFFFCD50] =	vst v2;
	v2 =	vld [tilespmem:s25+$0xFFFFFF90]  }
0x1bf: {  	v0 =	vadd.f32 v0, v6;
	v6 =	vadd.f32 v7, v6;
	v7 =	vld [tilespmem:s25+$0xFFFFCD20];
	[tilespmem:s25+$0xFFFFFF50] =	vst v1  }
0x1c0: {  	v1 =	vld [tilespmem:s0+$0xFFFFFFD0]  }
0x1c1: {  	[tilespmem:s25+$0xFFFFCDE0] =	vst v0;
	v0 =	vld [tilespmem:s25+$0xFFFFFF20]  }
0x1c2: {  	[tilespmem:s25+$0xFFFFFFE0] =	vst v6;
	v6 =	vld [tilespmem:s25+$0xFFFFCDF0];
	v3 =	vadd.f32 v3, v5  }
0x1c3: {  	v4 =	vadd.f32 v4, v5;
	v5 =	vadd.f32 v9, v8;
	v9 =	vld [tilespmem:s0+$0x60]  }
0x1c4: {  	v2 =	vadd.f32 v2, v8;
	v8 =	vld [tilespmem:s25+$0xFFFFFF60];
	[tilespmem:s25+$0xFFFFCD10] =	vst v3  }
0x1c5: {  	v3 =	vld [tilespmem:s25+$0xFFFFFFF0];
	[tilespmem:s25+$0xFFFFFF10] =	vst v4  }
0x1c6: {  	[tilespmem:s25+$0xFFFFFF90] =	vst v2;
	v2 =	vld [tilespmem:s25+$0xFFFFCD60]  }
0x1c7: {  	[tilespmem:s25+$0xFFFFCD90] =	vst v5;
	v4 =	vld [tilespmem:s0+$0xFFFFFF90]  }
0x1c8: {  	v5 =	vld [tilespmem:s0+$0x10]  }
0x1c9: {  	v6 =	vadd.f32 v6, v9  }
0x1ca: {  	v11 =	vld [tilespmem:s25+$0x0];
	v3 =	vadd.f32 v3, v9  }
0x1cb: {  	v9 =	vld [tilespmem:s25+$0xFFFFFFA0];
	[tilespmem:s25+$0xFFFFCDF0] =	vst v6;
	v2 =	vadd.f32 v2, v1  }
0x1cc: {  	v1 =	vadd.f32 v8, v1;
	v8 =	vld [tilespmem:s25+$0xFFFFCDB0];
	v6 =	vadd.f32 v7, v4;
	[tilespmem:s25+$0xFFFFFFF0] =	vst v3  }
0x1cd: {  	v0 =	vadd.f32 v0, v4;
	v4 =	vadd.f32 v10, v5;
	v10 =	vld [tilespmem:s25+$0xFFFFCD40];
	[tilespmem:s25+$0xFFFFCD60] =	vst v2  }
0x1ce: {  	v3 =	vld [tilespmem:s25+$0xFFFFCD30];
	[tilespmem:s25+$0xFFFFCD20] =	vst v6  }
0x1cf: {  	v2 =	vld [tilespmem:s25+$0xFFFFFF30];
	[tilespmem:s25+$0xFFFFFF20] =	vst v0  }
0x1d0: {  	[tilespmem:s25+$0xFFFFFF60] =	vst v1;
	v0 =	vadd.f32 v9, v5;
	v5 =	vld [tilespmem:s0+$0xFFFFFFA0]  }
0x1d1: {  	v1 =	vld [tilespmem:s0+$0xFFFFFFE0]  }
0x1d2: {  	[tilespmem:s25+$0xFFFFCDA0] =	vst v4;
	v4 =	vld [tilespmem:s25+$0xFFFFFF70]  }
0x1d3: {  	v6 =	vld [tilespmem:s25+$0xFFFFCD70];
	[tilespmem:s25+$0xFFFFFFA0] =	vst v0  }
0x1d4: {  	v7 =	vld [tilespmem:s0+$0x20]  }
0x1d5: {  	v9 =	vld [tilespmem:s25+$0xFFFFFFB0];
	v3 =	vadd.f32 v3, v5  }
0x1d6: {  	v0 =	vld [tilespmem:s0+$0x70];
	v2 =	vadd.f32 v2, v5  }
0x1d7: {  	v4 =	vadd.f32 v4, v1;
	v5 =	vld [tilespmem:s25+$0xFFFFFF40];
	[tilespmem:s25+$0xFFFFCD30] =	vst v3  }
0x1d8: {  	v3 =	vadd.f32 v6, v1;
	[tilespmem:s25+$0xFFFFFF30] =	vst v2;
	v1 =	vld [tilespmem:s25+$0xFFFFCD80]  }
0x1d9: {  	[tilespmem:s25+$0xFFFFFF70] =	vst v4;
	v2 =	vadd.f32 v8, v7;
	v8 =	vld [tilespmem:s0+$0xFFFFFFB0]  }
0x1da: {  	v4 =	vadd.f32 v9, v7;
	[tilespmem:s25+$0xFFFFCD70] =	vst v3;
	v3 =	vld [tilespmem:s25+$0xFFFFFF80]  }
0x1db: {  	[tilespmem:s25+$0xFFFFCDB0] =	vst v2;
	v7 =	vld [tilespmem:s0+$0xFFFFFFF0]  }
0x1dc: {  	v6 =	vadd.f32 v11, v0;
	[tilespmem:s25+$0xFFFFFFB0] =	vst v4;
	v4 =	vld [tilespmem:s25+$0xFFFFCDC0]  }
0x1dd: {  	v2 =	vld [tilespmem:s0+$0x30]  }
0x1de: {  	[tilespmem:s25+$0x0] =	vst v6;
	v6 =	vld [tilespmem:s25+$0xFFFFFFC0];
	v9 =	vadd.f32 v10, v8  }
0x1df: {  	s1 =	simm.s32 $0x0;
	s26 =	simm.s32 $0xC8F0;
	s0 =	simm.s32 $0x6580;
	v8 =	vadd.f32 v5, v8;
	v5 =	vld [tilespmem:s25+$0xFFFFCE00]  }
.LBB2_10:
0x1e0: {  	v10 =	vld [tilespmem:s0+$0x40];
	[tilespmem:s25+$0xFFFFCD40] =	vst v9;
	v1 =	vadd.f32 v1, v7;
	v3 =	vadd.f32 v3, v7;
	s26 =	sadd.s32 $0x100, s26  }
0x1e1: {  	v7 =	vld [tilespmem:s26+$0xFFFFCDD0];
	[tilespmem:s25+$0xFFFFFF40] =	vst v8  }
0x1e2: {  	v8 =	vld [tilespmem:s26+$0xFFFFFFD0];
	[tilespmem:s25+$0xFFFFCD80] =	vst v1;
	v1 =	vadd.f32 v4, v2  }
0x1e3: {  	v4 =	vld [tilespmem:s26+$0xFFFFCD10];
	[tilespmem:s25+$0xFFFFFF80] =	vst v3;
	v2 =	vadd.f32 v6, v2  }
0x1e4: {  	s1 =	sadd.s32 $0x4, s1;
	v3 =	vld [tilespmem:s26+$0xFFFFFF10];
	[tilespmem:s25+$0xFFFFCDC0] =	vst v1;
	v0 =	vadd.f32 v5, v0  }
0x1e5: {  	p0 =	slt.u32 s1, $0xC4;
	v1 =	vld [tilespmem:s0+$0xFFFFFFC0];
	[tilespmem:s25+$0xFFFFFFC0] =	vst v2  }
0x1e6: {  	v2 =	vld [tilespmem:s26+$0xFFFFCD50];
	v5 =	vadd.f32 v7, v10;
	[tilespmem:s25+$0xFFFFCE00] =	vst v0;
	s25 =	smov.u32 s26  }
0x1e7: {  	v0 =	vld [tilespmem:s26+$0xFFFFFF50];
	v6 =	vadd.f32 v8, v10  }
0x1e8: {  	v7 =	vld [tilespmem:s0+$0x0];
	[tilespmem:s26+$0xFFFFCDD0] =	vst v5  }
0x1e9: {  	[tilespmem:s26+$0xFFFFFFD0] =	vst v6;
	v5 =	vld [tilespmem:s26+$0xFFFFCDE0]  }
0x1ea: {  	v6 =	vld [tilespmem:s0+$0x50]  }
0x1eb: {  	v2 =	vadd.f32 v2, v1;
	v8 =	vld [tilespmem:s26+$0xFFFFFFE0]  }
0x1ec: {  	v0 =	vadd.f32 v0, v1;
	v1 =	vld [tilespmem:s26+$0xFFFFCD90]  }
0x1ed: {  	[tilespmem:s26+$0xFFFFCD50] =	vst v2;
	v2 =	vld [tilespmem:s26+$0xFFFFFF90]  }
0x1ee: {  	v9 =	vld [tilespmem:s0+$0xFFFFFF80];
	[tilespmem:s26+$0xFFFFFF50] =	vst v0  }
0x1ef: {  	v10 =	vld [tilespmem:s0+$0xFFFFFFD0];
	v0 =	vadd.f32 v5, v6  }
0x1f0: {  	v5 =	vld [tilespmem:s26+$0xFFFFCD20];
	v6 =	vadd.f32 v8, v6  }
0x1f1: {  	v8 =	vld [tilespmem:s26+$0xFFFFFF20];
	v1 =	vadd.f32 v1, v7;
	[tilespmem:s26+$0xFFFFCDE0] =	vst v0  }
0x1f2: {  	v0 =	vadd.f32 v2, v7;
	[tilespmem:s26+$0xFFFFFFE0] =	vst v6;
	v2 =	vld [tilespmem:s26+$0xFFFFCDF0]  }
0x1f3: {  	v4 =	vadd.f32 v4, v9;
	v3 =	vadd.f32 v3, v9;
	[tilespmem:s26+$0xFFFFCD90] =	vst v1;
	v1 =	vld [tilespmem:s0+$0x60]  }
0x1f4: {  	[tilespmem:s26+$0xFFFFFF90] =	vst v0;
	v0 =	vld [tilespmem:s26+$0xFFFFFFF0]  }
0x1f5: {  	[tilespmem:s26+$0xFFFFCD10] =	vst v4;
	v4 =	vld [tilespmem:s0+$0x10]  }
0x1f6: {  	[tilespmem:s26+$0xFFFFFF10] =	vst v3;
	v3 =	vld [tilespmem:s26+$0xFFFFCD60]  }
0x1f7: {  	v6 =	vld [tilespmem:s0+$0xFFFFFF90]  }
0x1f8: {  	v7 =	vld [tilespmem:s26+$0xFFFFFF60];
	v2 =	vadd.f32 v2, v1  }
0x1f9: {  	v9 =	vld [tilespmem:s26+$0xFFFFCDA0];
	v0 =	vadd.f32 v0, v1  }
0x1fa: {  	v1 =	vld [tilespmem:s26+$0xFFFFFFA0];
	[tilespmem:s26+$0xFFFFCDF0] =	vst v2  }
0x1fb: {  	v2 =	vadd.f32 v3, v10;
	[tilespmem:s26+$0xFFFFFFF0] =	vst v0;
	v3 =	vld [tilespmem:s26+$0x0]  }
0x1fc: {  	v5 =	vadd.f32 v5, v6;
	v6 =	vadd.f32 v8, v6;
	v0 =	vld [tilespmem:s0+$0x70]  }
0x1fd: {  	v8 =	vld [tilespmem:s26+$0xFFFFCD30];
	[tilespmem:s26+$0xFFFFCD60] =	vst v2;
	v2 =	vadd.f32 v7, v10  }
0x1fe: {  	[tilespmem:s26+$0xFFFFCD20] =	vst v5;
	v5 =	vld [tilespmem:s26+$0xFFFFFF30];
	v7 =	vadd.f32 v9, v4  }
0x1ff: {  	[tilespmem:s26+$0xFFFFFF20] =	vst v6;
	v6 =	vld [tilespmem:s26+$0xFFFFCD70];
	v1 =	vadd.f32 v1, v4  }
0x200: {  	v4 =	vld [tilespmem:s0+$0xFFFFFFA0];
	[tilespmem:s26+$0xFFFFFF60] =	vst v2  }
0x201: {  	v2 =	vld [tilespmem:s0+$0xFFFFFFE0];
	[tilespmem:s26+$0xFFFFCDA0] =	vst v7;
	v3 =	vadd.f32 v3, v0  }
0x202: {  	v7 =	vld [tilespmem:s26+$0xFFFFFF70];
	[tilespmem:s26+$0xFFFFFFA0] =	vst v1  }
0x203: {  	v9 =	vld [tilespmem:s0+$0x20];
	[tilespmem:s26+$0x0] =	vst v3  }
0x204: {  	v3 =	vld [tilespmem:s26+$0xFFFFCDB0]  }
0x205: {  	v1 =	vadd.f32 v8, v4;
	v4 =	vadd.f32 v5, v4;
	v5 =	vld [tilespmem:s26+$0xFFFFFFB0]  }
0x206: {  	v8 =	vld [tilespmem:s26+$0xFFFFCD40];
	v6 =	vadd.f32 v6, v2  }
0x207: {  	[tilespmem:s26+$0xFFFFCD30] =	vst v1;
	v10 =	vld [tilespmem:s26+$0xFFFFFF40];
	v2 =	vadd.f32 v7, v2  }
0x208: {  	[tilespmem:s26+$0xFFFFFF30] =	vst v4;
	v1 =	vld [tilespmem:s26+$0xFFFFCD80]  }
0x209: {  	v11 =	vld [tilespmem:s0+$0xFFFFFFB0];
	[tilespmem:s26+$0xFFFFCD70] =	vst v6;
	v4 =	vadd.f32 v3, v9  }
0x20a: {  	[tilespmem:s26+$0xFFFFFF70] =	vst v2;
	v3 =	vld [tilespmem:s26+$0xFFFFFF80];
	v2 =	vadd.f32 v5, v9  }
.Ltmp4:
0x20b: {  	v7 =	vld [tilespmem:s0+$0xFFFFFFF0];
	[tilespmem:s26+$0xFFFFCDB0] =	vst v4;
	(pc) =	sbr.rel @p0 .LBB2_10-.Ltmp4, $4  }
0x20c: {  	[tilespmem:s26+$0xFFFFFFB0] =	vst v2;
	v4 =	vld [tilespmem:s26+$0xFFFFCDC0]  }
0x20d: {  	v2 =	vld [tilespmem:s0+$0x30]  }
0x20e: {  	v9 =	vadd.f32 v8, v11;
	v8 =	vadd.f32 v10, v11;
	v6 =	vld [tilespmem:s26+$0xFFFFFFC0]  }
0x20f: {  	s0 =	sadd.s32 $0x100, s0;
	v5 =	vld [tilespmem:s26+$0xFFFFCE00]  }
0x210: {  	[tilespmem:s25+$0xFFFFCD40] =	vst v9;
	v1 =	vadd.f32 v1, v7  }
0x211: {  	v3 =	vadd.f32 v3, v7;
	[tilespmem:s25+$0xFFFFFF40] =	vst v8  }
0x212: {  	[tilespmem:s25+$0xFFFFCD80] =	vst v1;
	v62 =	vadd.f32 v4, v2  }
0x213: {  	[tilespmem:s25+$0xFFFFFF80] =	vst v3;
	v63 =	vadd.f32 v6, v2  }
0x214: {  	[tilespmem:s25+$0xFFFFCDC0] =	vst v62;
	v0 =	vadd.f32 v5, v0  }
0x215: {  	[tilespmem:s25+$0xFFFFFFC0] =	vst v63  }
0x216: {  	s24 =	sadd.s32 $0x1, s24;
	[tilespmem:s25+$0xFFFFCE00] =	vst v0  }
0x217: {  	[hbm4b:s10+s3] =	stream.linear.scatter [tilespmem:s15], [sflag:$0x4], $0x6400, $0x38;
	[tilespmem:$0x1C200] =	vst v63  }
0x218: {  	p0 =	sne.s32 s24, s11;
	_ =	swait.ge [sflag:s22], $0x6400  }
.Ltmp5:
0x219: {  	[sflag:s22] =	ssyncset.done $0x0;
	(pc) =	sbr.rel @p0 .LBB2_1-.Ltmp5, $4  }
0x21a: {  	[sflag:s22] =	ssyncadd.s32 $0xFFFF9C00  }
0x21b: {  	_ =	swait.ge [sflag:s23], $0x6400  }
0x21c: {  	[sflag:s23] =	ssyncset.done $0x0  }
0x21d: {  	[sflag:s23] =	ssyncadd.s32 $0xFFFF9C00  }
0x21e: {  	_ =	sfence.sel $0x180000  }
0x21f: {  	[bflag:$0x0] =	sbarrier.arrive $0xFFFF  }
0x220: {  	_ =	strace $0x90000047  }
0x221: {  	s0 =	stileid.u32;
	[bflag:$0x2] =	sbarrier.arrive $0xFFFF  }
0x222: {  	p0 =	sne.s32 s0, $0x0;
	s0 =	rddreg [dreg:$0x2]  }
0x223: {  	s0 =	sadd.s32 @!p0 $0x100000, s0  }
0x224: {  	[sflag:s0] =	ssyncadd.tile.s32 @!p0 $0x1;
	_ =	shalt  }
.Lfunc_end2:
_tile_overlayer_lowered:
.L_overlay_start_2:
0x225: {  	(tag) =	ssettag $0x2  }
0x226: {  	s0 =	rddreg [dreg:$0x0];
	s2 =	stileid.u32  }
0x227: {  	s1 =	rddreg [dreg:$0x1];
	p0 =	sne.s32 s2, $0x0  }
0x228: {  	s3 =	rddreg [dreg:$0x2];
	[bflag:$0x3] =	sbarrier.arrive $0xFFFF;
	s2 =	simm.s32 @!p0 $0x1C07  }
0x229: {  	[timem:s3], [sflag:s2] =	dma.local @!p0 [hbm:s0], s1  }
0x22a: {  	s0 =	simm.s32 @!p0 $0x7  }
0x22b: {  	_ =	swait.ge @!p0 [sflag:s0], s1  }
0x22c: {  	s1 =	ssub.s32 @!p0 $0x0, s1;
	[sflag:s0] =	ssyncset.done @!p0 $0x0  }
0x22d: {  	[sflag:s0] =	ssyncadd.s32 @!p0 s1  }
0x22e: {  	[bflag:$0x3] =	sbarrier.arrive $0xFFFF  }
0x22f: {  	_ =	shalt  }

// kernel: sparse-core-data-format-call.cloned.1.call-start
scs
called_computation_lowered:
.L_overlay_start_0:
0x0: {  	s2 =	sld [smem:$0x3FD9]  }
0x1: {  	s3 =	sld [smem:$0x3FFE];
	_ =	sdelay $0x1  }
0x2: {  	s1 =	srdreg.scid  }
0x3: {  	s0 =	sand.u32 $0x1, s1  }
0x4: {  	s18 =	sshll.u32 s0, $0xA;
	s2 =	sadd.s32 s3, s2  }
0x5: {  	s2 =	sadd.s32 s2, s18  }
0x6: {  	[smem:$0x3FC5] =	sst s2  }
0x7: {  	_ = 	snop  }
0x8: {  	s2 =	sld [smem:$0x3FD0];
	(tm) =	ssettm $0x1  }
0x9: {  	s19 =	sld [smem:$0x3FFB];
	_ =	sdelay $0x3  }
0xa: {  	_ =	strace s19  }
0xb: {  	s3 =	sld [smem:$0x3FFC];
	_ =	sdelay $0x3  }
0xc: {  	_ =	strace s3  }
0xd: {  	s3 =	sld [smem:$0x3FFD];
	_ =	sdelay $0x3  }
0xe: {  	_ =	strace s3  }
0xf: {  	_ =	strace $0x8FFFFFFF  }
0x10: {  	s20 =	sld [smem:$0x3FDB];
	_ =	sdelay $0x1  }
0x11: {  	s4 =	simm.s32 $_scs_section_size  }
0x12: {  	s5 =	simm.s32 $_size__tile_overlayer_lowered;
	s6 =	simm.s32 $_tile_overlayer_lowered  }
0x13: {  	s23 =	simm.s32 $0x1BFF;
	s22 =	sshll.u32 s6, $0x1;
	s3 =	sadd.s32 s4, s20  }
0x14: {  	s7 =	simm.s32 $0x0;
	s21 =	sshll.u32 s5, $0x1;
	s5 =	sadd.s32 s22, s3  }
0x15: {  	[timem:s7], [sflag:s23] =	dma.local [hbm:s5], s21  }
0x16: {  	_ =	swait.ge [sflag:s23], s21  }
0x17: {  	s4 =	ssub.s32 $0x0, s21;
	[sflag:s23] =	ssyncset.done $0x0  }
0x18: {  	[sflag:s23] =	ssyncadd.s32 s4;
	_ =	sdelay $0x1  }
0x19: {  	s24 =	simm.s32 $0x1B8B  }
0x1a: {  	_ =	swait.ge [sflag:s24], $0x1  }
0x1b: {  	[sflag:s24] =	ssyncset.done $0x0  }
0x1c: {  	s26 =	simm.s32 $0x1B8E;
	s25 =	sld [smem:$0x3FFE];
	[sflag:s24] =	ssyncadd.s32 $0xFFFFFFFF  }
0x1d: {  	s27 =	simm.s32 $execute0_lowered;
	[smem:$0x3FD2] =	sst s26  }
0x1e: {  	s5 =	sshll.u32 s27, $0x1;
	_ =	strace $0x80000049;
	[dreg:$0x1] =	wrdreg $0xFFFFFFFF  }
0x1f: {  	s28 =	simm.s32 $_size_execute0_lowered;
	s3 =	sadd.s32 s3, s5;
	[dreg:$0x0] =	wrdreg $0x0  }
0x20: {  	s5 =	sshll.u32 s28, $0x1;
	[dreg:$0x2] =	wrdreg s3  }
0x21: {  	[dreg:$0x3] =	wrdreg s5  }
0x22: {  	[dreg:$0x4] =	wrdreg $0xC0  }
0x23: {  	_ =	task [dreg:s7], $0x5FFFF  }
0x24: {  	[dreg:$0x1] =	wrdreg $0xFFFFFFFF  }
0x25: {  	[dreg:$0x0] =	wrdreg $0x60  }
0x26: {  	[dreg:$0x2] =	wrdreg s25  }
0x27: {  	[dreg:$0x3] =	wrdreg s2  }
0x28: {  	[dreg:$0x4] =	wrdreg $0x9  }
0x29: {  	_ =	task.clear_ibuf [dreg:s7], $0x5FFFF;
	_ =	strace $0x90000049  }
0x2a: {  	s29 =	simm.s32 $0x9;
	_ =	strace $0x8000004B  }
0x2b: {  	_ =	swait.ge [sflag:s29], $0x1  }
0x2c: {  	[sflag:s29] =	ssyncadd.s32 $0xFFFFFFFF  }
0x2d: {  	_ =	strace $0x9000004B  }
0x2e: {  	_ =	sfence  }
0x2f: {  	s30 =	sld [smem:$0x0];
	_ =	sdelay $0x2  }
0x30: {  	s31 =	sshll.u32 s1, $0xD;
	s1 =	sshrl.u32 s1, $0x2  }
0x31: {  	s3 =	sand.u32 $0x4000, s31;
	s1 =	sadd.s32 s1, s30  }
0x32: {  	s0 =	sor.u32 s3, s0;
	s1 =	sshll.u32 s1, $0x11  }
0x33: {  	s0 =	sor.u32 s1, s0  }
0x34: {  	s0 =	sadd.s32 $0x8F2B, s0  }
0x35: {  	[sflag:s0] =	ssyncadd.remote.s32 $0x1  }
0x36: {  	_ =	sfence.sel $0xFFFF  }
0x37: {  	[dreg:$0x0] =	wrdreg $0xFFFFFFFF;
	(pc) =	sbr.abs _section_cstart, $3  }
0x38: {  	[dreg:$0x1] =	wrdreg $0xFFFFFFFF  }
0x39: {  	_ =	task.clear_ibuf [dreg:s7], $0x2FFFF;
	_ =	strace $0x9FFFFFFF  }
0x3a: {  	(tm) =	ssettm $0x7FFFFFFF  }
0x3b: {  	_ =	shalt  }
tec
execute0_lowered:
.L_overlay_start_1:
0x0: {  	(tag) =	ssettag $0x1  }
0x1: {  	s0 =	srdreg.scid  }
0x2: {  	s1 =	sshll.u32 s0, $0x4  }
0x3: {  	s0 =	stileid.u32;
	s1 =	sand.u32 $0x10, s1  }
0x4: {  	s1 =	sor.u32 s0, s1  }
0x5: {  	s6 =	rddreg [dreg:$0x0];
	s4 =	simm.s32 $0x1;
	s2 =	sshll.u32 s1, $0x7  }
0x6: {  	s7 =	simm.s32 $0x2;
	s12 =	simm.s32 $0x0;
	s1 =	ssub.s32 $0x1000, s2  }
0x7: {  	s8 =	simm.s32 $0x8000;
	s13 =	simm.s32 $0x0;
	s3 =	sand.u32 $0xF80, s1  }
0x8: {  	s9 =	simm.s32 $0x0;
	s5 =	sshrl.u32 s1, $0xC;
	p0 =	sne.s32 s3, $0x0  }
.Ltmp0:
0x9: {  	s1 =	rddreg [dreg:$0x2];
	s4 =	simm.s32 @!p0 $0x0;
	(pc) =	sbr.rel .LBB1_1-.Ltmp0, $4  }
0xa: {  	s11 =	simm.s32 $0x0;
	s3 =	rddreg [dreg:$0x1];
	s5 =	sadd.s32 s4, s5  }
0xb: {  	_ =	strace $0x8000004A;
	s4 =	simm.s32 $0x1;
	s5 =	smul.u32 $0xC8, s5  }
0xc: {  	s6 =	sadd.s32 $0x800, s6;
	s10 =	smov.u32 s2;
	[sflag:s4] =	ssyncpa.u1 $0x0  }
0xd: {  	p0 =	por $0x0, $0x0;
	[sflag:s7] =	ssyncpa.u1 $0x0;
	s7 =	sor.u32 $0x1, s5  }
.LBB1_4:
0xe: {  	s16 =	sshll.u32 s13, $0x3;
	s17 =	sand.u32 $0x78, s13  }
0xf: {  	s30 =	sand.u32 $0x7E00, s13;
	s12 =	sshll.u32 s12, $0xF;
	s16 =	sand.u32 $0xC00, s16  }
0x10: {  	[tilespmem:s15+$0x810 ss:$0x81] =	vst.msk $0xffff, v2;
	s31 =	sand.u32 $0x7, s13;
	s16 =	sor.u32 s17, s16;
	s17 =	sadd.s32 s3, s30  }
0x11: {  	[tilespmem:s15+$0x1020 ss:$0x81] =	vst.msk $0xffff, v0;
	s13 =	sshll.u32 s31, $0x12;
	s12 =	sadd.s32 s12, s17;
	s16 =	sshrl.u32 s16, $0x3  }
0x12: {  	[tilespmem:s15+$0x0 ss:$0x81] =	vst.msk $0xffff, v1;
	s13 =	sor.u32 $0x400, s13;
	s12 =	sadd.s32 s16, s12  }
0x13: {  	[hbm4b:s12+s13] =	stream.strided.scatter [tilespmem:s14], [sflag:$0x2], $0x2000, s8, s13, $0x20;
	[tilespmem:$0x8080] =	vst v63  }
.LBB1_5:
0x14: {  	s14 =	sadd.s32 $0x1, s9  }
0x15: {  	s12 =	sadd.s32 $0x1000, s10;
	s16 =	smov.u32 s10;
	p2 =	sgt.s32 s14, $0xC7  }
0x16: {  	s16 =	smov.u32 @p2 s12  }
0x17: {  	s14 =	simm.s32 @p2 $0x0;
	p2 =	sgt.s32 s16, $0xFFF  }
0x18: {  	s16 =	smov.u32 @p2 s2;
	p2 =	sne.s32 s11, s7  }
.Ltmp1:
0x19: {  	p1 =	slt.u32 s11, $0x2;
	(pc) =	sbr.rel @!p2 .LBB1_6-.Ltmp1, $4  }
0x1a: {  	s15 =	simm.s32 @!p1 $0x2  }
0x1b: {  	s13 =	smov.u32 s10;
	p0 =	por !p0, !p0;
	_ =	swait.ge @!p1 [sflag:s15], $0x2000  }
0x1c: {  	s12 =	smov.u32 s9;
	[sflag:s15] =	ssyncset.done @!p1 $0x0;
	s9 =	smov.u32 s14  }
0x1d: {  	s11 =	sadd.s32 $0x1, s11;
	[sflag:s15] =	ssyncadd.s32 @!p1 $0xFFFFE000;
	s10 =	smov.u32 s16  }
.LBB1_1:
0x1e: {  	p1 =	sge.u32 s11, s5  }
0x1f: {  	s14 =	sand.u32 @!p1 $0x1FFFFFF, s9  }
0x20: {  	s15 =	smulhi.u32 @!p1 $0x147AE15, s14;
	_ =	sdelay $0x1  }
0x21: {  	s15 =	smul.u32 @!p1 $0xC8, s15  }
0x22: {  	s16 =	sxor.u32 @!p1 $0xFFFFFFFF, s11;
	s17 =	smul.u32 @!p1 $0xC80, s10  }
0x23: {  	s31 =	sadd.s32 $0xFFFFFFFF, s11;
	s16 =	sshll.u32 @!p1 s16, $0xD;
	s14 =	ssub.s32 @!p1 s14, s15  }
0x24: {  	s15 =	sand.u32 @!p1 $0x2000, s16;
	s16 =	sadd.s32 @!p1 s6, s17;
	s14 =	sshll.u32 @!p1 s14, $0x4  }
0x25: {  	s17 =	simm.s32 @!p1 $0x6400;
	s14 =	sadd.s32 @!p1 s14, s16;
	s16 =	simm.s32 @!p1 $0x40  }
0x26: {  	[tilespmem:s15], [sflag:$0x1] =	stream.strided.gather @!p1 [hbm4b:s14+s16], $0x2000, s17, s16, $0x38;
	[tilespmem:$0x8080] =	vst v63  }
0x27: {  	p1 =	sge.u32 s31, s5  }
.Ltmp2:
0x28: {  	_ = 	snop;
	(pc) =	sbr.rel @p1 .LBB1_5-.Ltmp2, $1  }
0x29: {  	_ =	sdelay $0x3  }
0x2a: {  	s14 =	simm.s32 $0x1  }
0x2b: {  	_ =	swait.ge [sflag:s4], $0x2000;
	s14 =	simm.s32 @!p0 $0x0  }
0x2c: {  	[sflag:s4] =	ssyncset.done $0x0;
	s15 =	sshll.u32 s14, $0xD  }
0x2d: {  	[sflag:s4] =	ssyncadd.s32 $0xFFFFE000;
	s18 =	sor.u32 $0x20, s15  }
0x2e: {  	s14 =	smul.u32 $0x8100, s14;
	v3 =	vld [tilespmem:s18+$0x10]  }
0x2f: {  	s30 =	sand.u32 $0x1, s11;
	v2 =	vld [tilespmem:s18+$0xFFFFFFF0]  }
0x30: {  	s15 =	smul.u32 $0x8100, s30;
	s14 =	sshrl.u32 s14, $0x2;
	v0 =	vld [tilespmem:s18+$0x0]  }
0x31: {  	v1 =	vld [tilespmem:s18+$0xFFFFFFE0];
	s16 =	sor.u32 $0x4000, s14  }
0x32: {  	s31 =	sshrl.u32 s15, $0x2;
	s15 =	sadd.s32 $0x0, s16  }
0x33: {  	s17 =	simm.s32 $0x4;
	s18 =	sadd.s32 $0x40, s18;
	s14 =	sor.u32 $0x4000, s31;
	[tilespmem:s15+$0x1830 ss:$0x81] =	vst.msk $0xffff, v3  }
.LBB1_3:
0x34: {  	v3 =	vld [tilespmem:s18+$0x10];
	p1 =	sne.s32 s17, $0x1FC;
	[tilespmem:s15+$0x810 ss:$0x81] =	vst.msk $0xffff, v2;
	s19 =	smov.u32 s17;
	s17 =	sadd.s32 $0x4, s17  }
.Ltmp3:
0x35: {  	v2 =	vld [tilespmem:s18+$0xFFFFFFF0];
	[tilespmem:s15+$0x1020 ss:$0x81] =	vst.msk $0xffff, v0;
	(pc) =	sbr.rel @p1 .LBB1_3-.Ltmp3, $4  }
0x36: {  	v0 =	vld [tilespmem:s18+$0x0];
	[tilespmem:s15+$0x0 ss:$0x81] =	vst.msk $0xffff, v1  }
0x37: {  	s15 =	sshra.s32 s19, $0x2;
	v1 =	vld [tilespmem:s18+$0xFFFFFFE0]  }
0x38: {  	s15 =	sadd.s32 s15, s16  }
0x39: {  	s18 =	sadd.s32 $0x40, s18;
	[tilespmem:s15+$0x1830 ss:$0x81] =	vst.msk $0xffff, v3  }
.Ltmp4:
0x3a: {  	_ = 	snop;
	(pc) =	sbr.rel .LBB1_4-.Ltmp4, $1  }
0x3b: {  	_ =	sdelay $0x3  }
.LBB1_6:
0x3c: {  	_ =	sfence.sel $0x180000  }
0x3d: {  	s2 =	simm.s32 $0x1;
	[bflag:$0x0] =	sbarrier.arrive $0xFFFF  }
0x3e: {  	s31 =	simm.s32 $0x2;
	[sflag:s2] =	ssyncpa.u1 $0x1  }
0x3f: {  	[sflag:s31] =	ssyncpa.u1 $0x1  }
0x40: {  	p0 =	sne.s32 s0, $0x0;
	_ =	strace $0x9000004A  }
0x41: {  	s0 =	sadd.s32 @!p0 $0x100000, s1;
	[bflag:$0x2] =	sbarrier.arrive $0xFFFF  }
0x42: {  	[sflag:s0] =	ssyncadd.tile.s32 @!p0 $0x1;
	_ =	shalt  }
.Lfunc_end1:
_tile_overlayer_lowered:
.L_overlay_start_2:
0x43: {  	(tag) =	ssettag $0x2  }
0x44: {  	s0 =	rddreg [dreg:$0x0];
	s2 =	stileid.u32  }
0x45: {  	s1 =	rddreg [dreg:$0x1];
	p0 =	sne.s32 s2, $0x0  }
0x46: {  	s3 =	rddreg [dreg:$0x2];
	[bflag:$0x3] =	sbarrier.arrive $0xFFFF;
	s2 =	simm.s32 @!p0 $0x1C01  }
0x47: {  	[timem:s3], [sflag:s2] =	dma.local @!p0 [hbm:s0], s1  }
0x48: {  	s0 =	simm.s32 @!p0 $0x1  }
0x49: {  	_ =	swait.ge @!p0 [sflag:s0], s1  }
0x4a: {  	s1 =	ssub.s32 @!p0 $0x0, s1;
	[sflag:s0] =	ssyncset.done @!p0 $0x0  }
0x4b: {  	[sflag:s0] =	ssyncadd.s32 @!p0 s1  }
0x4c: {  	[bflag:$0x3] =	sbarrier.arrive $0xFFFF  }
0x4d: {  	_ =	shalt  }

</sc_bundles>
